<compile_context>
chip_gen: v7x
topology: tpu7x:2x2x1
jax: 0.10.2.dev20260603
libtpu: 0.0.44.dev20260713+nightly
codegen_flags: <defaults>
</compile_context>

<pallas_src>
import functools

import jax
import jax.numpy as jnp
from jax import lax
from jax.experimental import pallas as pl
from jax.experimental.pallas import tpu as pltpu
from jax.experimental.pallas import tpu_sc as plsc

N = 10000
E = 320000
D = 128
ED = 16

_F32 = jnp.float32

_NC = 2
_NS = 16
_NW = _NC * _NS
_CB = 128
_CHUNKS = E // _CB
_NPAD = 10240


def _sc_gather(P, Q, ei0, ei1):
    mesh = plsc.VectorSubcoreMesh(core_axis_name="c", subcore_axis_name="s")

    @functools.partial(
        pl.kernel,
        out_type=[jax.ShapeDtypeStruct((E, D), _F32),
                  jax.ShapeDtypeStruct((E, D), _F32)],
        mesh=mesh,
        scratch_types=[
            pltpu.VMEM((_CB,), jnp.int32),
            pltpu.VMEM((_CB,), jnp.int32),
            pltpu.VMEM((_CB,), jnp.int32),
            pltpu.VMEM((_CB,), jnp.int32),
            pltpu.VMEM((_CB, D), _F32),
            pltpu.VMEM((_CB, D), _F32),
            pltpu.VMEM((_CB, D), _F32),
            pltpu.VMEM((_CB, D), _F32),
            pltpu.SemaphoreType.DMA,
            pltpu.SemaphoreType.DMA,
        ],
    )
    def k(p_hbm, q_hbm, ei0_hbm, ei1_hbm, pi_hbm, qj_hbm,
          ii0, jj0, ii1, jj1, pr0, qr0, pr1, qr1, sem_i, sem_g):
        wid = lax.axis_index("s") * _NC + lax.axis_index("c")
        extra = jnp.where(wid < _CHUNKS % _NW, 1, 0)
        nks = _CHUNKS // _NW
        nk = nks + extra

        def off_(c):
            return (c * _NW + wid) * _CB

        def load_idx(c, ii, jj):
            a = pltpu.async_copy(ei0_hbm.at[pl.ds(off_(c), _CB)], ii, sem_i)
            b = pltpu.async_copy(ei1_hbm.at[pl.ds(off_(c), _CB)], jj, sem_i)
            return a, b

        def drain_idx(ii, jj):
            pltpu.make_async_copy(ei0_hbm.at[pl.ds(0, _CB)], ii, sem_i).wait()
            pltpu.make_async_copy(ei1_hbm.at[pl.ds(0, _CB)], jj, sem_i).wait()

        def fire_g(ii, jj, pr, qr):
            pltpu.async_copy(p_hbm.at[ii], pr, sem_g)
            pltpu.async_copy(q_hbm.at[jj], qr, sem_g)

        def drain_g(ii, jj, pr, qr):
            pltpu.make_async_copy(p_hbm.at[ii], pr, sem_g).wait()
            pltpu.make_async_copy(q_hbm.at[jj], qr, sem_g).wait()

        def write(c, pr, qr):
            pltpu.sync_copy(pr, pi_hbm.at[pl.ds(off_(c), _CB)])
            pltpu.sync_copy(qr, qj_hbm.at[pl.ds(off_(c), _CB)])

        pltpu.sync_copy(ei0_hbm.at[pl.ds(off_(0), _CB)], ii0)
        pltpu.sync_copy(ei1_hbm.at[pl.ds(off_(0), _CB)], jj0)
        fire_g(ii0, jj0, pr0, qr0)

        def body(kk, carry):
            a = 2 * kk
            b = 2 * kk + 1
            c = jnp.minimum(2 * kk + 2, nk - 1)
            load_idx(b, ii1, jj1)
            drain_g(ii0, jj0, pr0, qr0)
            drain_idx(ii1, jj1)
            fire_g(ii1, jj1, pr1, qr1)
            write(a, pr0, qr0)
            load_idx(c, ii0, jj0)
            drain_g(ii1, jj1, pr1, qr1)
            drain_idx(ii0, jj0)
            fire_g(ii0, jj0, pr0, qr0)
            write(b, pr1, qr1)
            return carry

        lax.fori_loop(0, nks // 2, body, 0)

        drain_g(ii0, jj0, pr0, qr0)

        def ebody(_, carry):
            write(nks, pr0, qr0)
            return carry

        lax.fori_loop(0, extra, ebody, 0)

    return k(P, Q, ei0, ei1)


def _sc_scatter(mij, ei0, zd, z1, o1):
    mesh = plsc.VectorSubcoreMesh(core_axis_name="c", subcore_axis_name="s")

    @functools.partial(
        pl.kernel,
        out_type=[jax.ShapeDtypeStruct((_NC, _NPAD, D), _F32),
                  jax.ShapeDtypeStruct((_NC * _NPAD,), _F32)],
        mesh=mesh,
        scratch_types=[
            pltpu.VMEM((_CB, D), _F32),
            pltpu.VMEM((_CB, D), _F32),
            pltpu.VMEM((_CB,), jnp.int32),
            pltpu.VMEM((_CB,), jnp.int32),
            pltpu.VMEM((_CB,), _F32),
            pltpu.VMEM_SHARED((_NPAD, D), _F32),
            pltpu.VMEM_SHARED((_NPAD,), _F32),
            pltpu.SemaphoreType.DMA,
        ],
    )
    def k(mij_hbm, ei0_hbm, zd_hbm, z1_hbm, o1_hbm, acc_hbm, cnt_hbm,
          mb0, mb1, idx0, idx1, ones_v, acc_sh, cnt_sh, sem_l):
        cid = lax.axis_index("c")
        sid = lax.axis_index("s")
        wid = sid * _NC + cid

        pltpu.sync_copy(o1_hbm, ones_v)

        def zero_acc(kk, carry):
            row = (kk * _NS + sid) * _CB
            pltpu.sync_copy(zd_hbm, acc_sh.at[pl.ds(row, _CB)])
            pltpu.sync_copy(z1_hbm, cnt_sh.at[pl.ds(row, _CB)])
            return carry

        lax.fori_loop(0, _NPAD // _CB // _NS, zero_acc, 0)
        plsc.subcore_barrier()

        extra = jnp.where(wid < _CHUNKS % _NW, 1, 0)
        nks = _CHUNKS // _NW
        nk = nks + extra

        def off_(c):
            return (c * _NW + wid) * _CB

        def load(c, idx, mb):
            pltpu.async_copy(ei0_hbm.at[pl.ds(off_(c), _CB)], idx, sem_l)
            pltpu.async_copy(mij_hbm.at[pl.ds(off_(c), _CB)], mb, sem_l)

        def drain_load(idx, mb):
            pltpu.make_async_copy(ei0_hbm.at[pl.ds(0, _CB)], idx, sem_l).wait()
            pltpu.make_async_copy(mij_hbm.at[pl.ds(0, _CB)], mb, sem_l).wait()

        def scat(idx, mb):
            pltpu.sync_copy(mb, acc_sh.at[idx], add=True)
            pltpu.sync_copy(ones_v, cnt_sh.at[idx], add=True)

        load(0, idx0, mb0)

        def body(kk, carry):
            b = 2 * kk + 1
            c = jnp.minimum(2 * kk + 2, nk - 1)
            load(b, idx1, mb1)
            drain_load(idx0, mb0)
            scat(idx0, mb0)
            load(c, idx0, mb0)
            drain_load(idx1, mb1)
            scat(idx1, mb1)
            return carry

        lax.fori_loop(0, nks // 2, body, 0)

        drain_load(idx0, mb0)

        def ebody(_, carry):
            scat(idx0, mb0)
            return carry

        lax.fori_loop(0, extra, ebody, 0)
        plsc.subcore_barrier()

        def dump(kk, carry):
            row = (kk * _NS + sid) * _CB
            pltpu.sync_copy(acc_sh.at[pl.ds(row, _CB)], acc_hbm.at[cid, pl.ds(row, _CB)])
            pltpu.sync_copy(cnt_sh.at[pl.ds(row, _CB)],
                            cnt_hbm.at[pl.ds(cid * _NPAD + row, _CB)])
            return carry

        lax.fori_loop(0, _NPAD // _CB // _NS, dump, 0)

    return k(mij, ei0, zd, z1, o1)


def _prep_body(nf_ref, g_ref, b_ref, wa_ref, wb_ref, p_ref, q_ref):
    x = nf_ref[...]
    mu = jnp.mean(x, axis=1, keepdims=True)
    var = jnp.mean((x - mu) ** 2, axis=1, keepdims=True)
    h = (x - mu) * lax.rsqrt(var + 1e-5) * g_ref[...][None, :] + b_ref[...][None, :]
    p_ref[...] = jnp.dot(h, wa_ref[...], preferred_element_type=_F32)
    q_ref[...] = jnp.dot(h, wb_ref[...], preferred_element_type=_F32)


def _prep(nf, gamma, beta, w1a, w1b):
    blk = 1000
    grid = (N // blk,)
    return pl.pallas_call(
        _prep_body,
        grid=grid,
        in_specs=[
            pl.BlockSpec((blk, D), lambda i: (i, 0)),
            pl.BlockSpec((D,), lambda i: (0,)),
            pl.BlockSpec((D,), lambda i: (0,)),
            pl.BlockSpec((D, D), lambda i: (0, 0)),
            pl.BlockSpec((D, D), lambda i: (0, 0)),
        ],
        out_specs=[
            pl.BlockSpec((blk, D), lambda i: (i, 0)),
            pl.BlockSpec((blk, D), lambda i: (i, 0)),
        ],
        out_shape=[
            jax.ShapeDtypeStruct((N, D), _F32),
            jax.ShapeDtypeStruct((N, D), _F32),
        ],
    )(nf, gamma, beta, w1a, w1b)


def _edge_body(pi_ref, qj_ref, ef_ref, w1c_ref, b1_ref, w2_ref, b2_ref, out_ref):
    u = (pi_ref[...] + qj_ref[...]
         + jnp.dot(ef_ref[...], w1c_ref[...], preferred_element_type=_F32)
         + b1_ref[...][None, :])
    u = u * jax.nn.sigmoid(u)
    m = jnp.dot(u, w2_ref[...], preferred_element_type=_F32) + b2_ref[...][None, :]
    out_ref[...] = m * jax.nn.sigmoid(m)


def _edge_mlp(pi, qj, ef, w1c, b1, w2, b2):
    blk = 2000
    grid = (E // blk,)
    return pl.pallas_call(
        _edge_body,
        grid=grid,
        in_specs=[
            pl.BlockSpec((blk, D), lambda i: (i, 0)),
            pl.BlockSpec((blk, D), lambda i: (i, 0)),
            pl.BlockSpec((blk, ED), lambda i: (i, 0)),
            pl.BlockSpec((ED, D), lambda i: (0, 0)),
            pl.BlockSpec((D,), lambda i: (0,)),
            pl.BlockSpec((D, D), lambda i: (0, 0)),
            pl.BlockSpec((D,), lambda i: (0,)),
        ],
        out_specs=pl.BlockSpec((blk, D), lambda i: (i, 0)),
        out_shape=jax.ShapeDtypeStruct((E, D), _F32),
    )(pi, qj, ef, w1c, b1, w2, b2)


def _agg_body(nf_ref, ms_ref, c0_ref, c1_ref, a1a_ref, a1b_ref, c1_ref_b, a2_ref, c2_ref,
              out_ref):
    nf = nf_ref[...]
    msum = ms_ref[0] + ms_ref[1]
    cnt = c0_ref[...] + c1_ref[...]
    msg = msum / jnp.maximum(cnt, 1.0)
    a = (jnp.dot(nf, a1a_ref[...], preferred_element_type=_F32)
         + jnp.dot(msg, a1b_ref[...], preferred_element_type=_F32)
         + c1_ref_b[...][None, :])
    a = a * jax.nn.sigmoid(a)
    a = jnp.dot(a, a2_ref[...], preferred_element_type=_F32) + c2_ref[...][None, :]
    out_ref[...] = nf + a * jax.nn.sigmoid(a)


def _agg(nf, msum, cnt0, cnt1, a1a, a1b, c1, a2, c2):
    blk = 1000
    grid = (N // blk,)
    return pl.pallas_call(
        _agg_body,
        grid=grid,
        in_specs=[
            pl.BlockSpec((blk, D), lambda i: (i, 0)),
            pl.BlockSpec((_NC, blk, D), lambda i: (0, i, 0)),
            pl.BlockSpec((blk, 1), lambda i: (i, 0)),
            pl.BlockSpec((blk, 1), lambda i: (i, 0)),
            pl.BlockSpec((D, D), lambda i: (0, 0)),
            pl.BlockSpec((D, D), lambda i: (0, 0)),
            pl.BlockSpec((D,), lambda i: (0,)),
            pl.BlockSpec((D, D), lambda i: (0, 0)),
            pl.BlockSpec((D,), lambda i: (0,)),
        ],
        out_specs=pl.BlockSpec((blk, D), lambda i: (i, 0)),
        out_shape=jax.ShapeDtypeStruct((N, D), _F32),
    )(nf, msum, cnt0, cnt1, a1a, a1b, c1, a2, c2)


def kernel(node_features, edge_features, edge_index, edge2graph,
           W1, b1, W2, b2, A1, c1, A2, c2, gamma, beta):
    del edge2graph
    w1a = W1[:D]
    w1b = W1[D:2 * D]
    w1c = W1[2 * D:]
    a1a = A1[:D]
    a1b = A1[D:]

    P, Q = _prep(node_features, gamma, beta, w1a, w1b)

    ei0 = edge_index[0]
    ei1 = edge_index[1]
    pi, qj = _sc_gather(P, Q, ei0, ei1)

    mij = _edge_mlp(pi, qj, edge_features, w1c, b1, W2, b2)

    zd = jnp.zeros((_CB, D), _F32)
    z1 = jnp.zeros((_CB,), _F32)
    o1 = jnp.ones((_CB,), _F32)
    acc, cnt = _sc_scatter(mij, ei0, zd, z1, o1)

    cnt0 = cnt[:_NPAD].reshape(_NPAD, 1)
    cnt1 = cnt[_NPAD:].reshape(_NPAD, 1)
    return _agg(node_features, acc, cnt0, cnt1, a1a, a1b, c1, A2, c2)

# --- scband reference (transcript-rebuilt; emitter-appended) ---
"""Pipeline reference for scband-simple-gnnlayer-31293131719368 (READ-ONLY COPY).

The authoritative reference and input builder live on the scoring server;
editing this copy changes nothing except your own understanding.
"""

import jax, jax.numpy as jnp
import numpy as np

N = 10000
E = 320000
D = 128
ED = 16

def _init_linear(key, fan_in, fan_out):
    k1, k2 = jax.random.split(key)
    bound = 1.0 / np.sqrt(fan_in)
    W = jax.random.uniform(k1, (fan_in, fan_out), minval=-bound, maxval=bound, dtype=jnp.float32)
    b = jax.random.uniform(k2, (fan_out,), minval=-bound, maxval=bound, dtype=jnp.float32)
    return W, b

def setup_inputs(seed: int = 0) -> dict:
    key = jax.random.key(seed)
    ks = jax.random.split(key, 10)
    node_features = jax.random.normal(ks[0], (N, D), dtype=jnp.float32)
    edge_features = jax.random.normal(ks[1], (E, ED), dtype=jnp.float32)
    edge_index = jax.random.randint(ks[2], (2, E), 0, N, dtype=jnp.int32)
    edge2graph = jnp.sort(jax.random.randint(ks[3], (E,), 0, 64, dtype=jnp.int32))
    W1, b1 = _init_linear(ks[4], 2 * D + ED, D)
    W2, b2 = _init_linear(ks[5], D, D)
    A1, c1 = _init_linear(ks[6], 2 * D, D)
    A2, c2 = _init_linear(ks[7], D, D)
    gamma = jnp.ones((D,), dtype=jnp.float32)
    beta = jnp.zeros((D,), dtype=jnp.float32)
    return {"node_features": node_features, "edge_features": edge_features,
            "edge_index": edge_index, "edge2graph": edge2graph,
            "W1": W1, "b1": b1, "W2": W2, "b2": b2,
            "A1": A1, "c1": c1, "A2": A2, "c2": c2,
            "gamma": gamma, "beta": beta}

def _layer_norm(x, gamma, beta, eps=1e-5):
    mu = jnp.mean(x, axis=-1, keepdims=True)
    var = jnp.mean((x - mu) ** 2, axis=-1, keepdims=True)
    return (x - mu) / jnp.sqrt(var + eps) * gamma + beta

def reference(node_features, edge_features, edge_index, edge2graph,
              W1, b1, W2, b2, A1, c1, A2, c2, gamma, beta):
    silu = jax.nn.silu
    # message_model
    h = _layer_norm(node_features, gamma, beta)
    hi = jnp.take(h, edge_index[0], axis=0)
    hj = jnp.take(h, edge_index[1], axis=0)
    m_in = jnp.concatenate([hi, hj, edge_features], axis=1)
    mij = silu(m_in @ W1 + b1)
    mij = silu(mij @ W2 + b2)
    # scatter mean over destination = edge_index[0]
    seg = edge_index[0]
    msum = jax.ops.segment_sum(mij, seg, num_segments=node_features.shape[0])
    cnt = jax.ops.segment_sum(jnp.ones((mij.shape[0], 1), dtype=mij.dtype), seg,
                              num_segments=node_features.shape[0])
    message = msum / jnp.maximum(cnt, 1.0)
    # agg_model
    a_in = jnp.concatenate([node_features, message], axis=1)
    agg = silu(a_in @ A1 + c1)
    agg = silu(agg @ A2 + c2)
    return node_features + agg

if __name__ == "__main__":
    import jax
    _d = setup_inputs()
    print(jax.jit(kernel)(*tuple(_d.values())))

</pallas_src>

<mosaic_0001>
#map = affine_map<(d0, d1) -> (0, 0)>
#map1 = affine_map<(d0, d1) -> (0)>
module attributes {stable_mosaic.version = 14 : i64} {
  func.func @k(%arg0: i32, %arg1: i32, %arg2: memref<10000x128xf32, #tpu.memory_space<hbm>>, %arg3: memref<10000x128xf32, #tpu.memory_space<hbm>>, %arg4: memref<320000xi32, #tpu.memory_space<hbm>>, %arg5: memref<320000xi32, #tpu.memory_space<hbm>>, %arg6: memref<320000x128xf32, #tpu.memory_space<hbm>>, %arg7: memref<320000x128xf32, #tpu.memory_space<hbm>>, %arg8: memref<128xi32, #tpu.memory_space<vmem>>, %arg9: memref<128xi32, #tpu.memory_space<vmem>>, %arg10: memref<128xi32, #tpu.memory_space<vmem>>, %arg11: memref<128xi32, #tpu.memory_space<vmem>>, %arg12: memref<128x128xf32, #tpu.memory_space<vmem>>, %arg13: memref<128x128xf32, #tpu.memory_space<vmem>>, %arg14: memref<128x128xf32, #tpu.memory_space<vmem>>, %arg15: memref<128x128xf32, #tpu.memory_space<vmem>>, %arg16: memref<!tpu.dma_semaphore, #tpu.memory_space<semaphore_mem>>, %arg17: memref<!tpu.dma_semaphore, #tpu.memory_space<semaphore_mem>>) attributes {dimension_semantics = [#tpu.dimension_semantics<core_parallel>, #tpu.dimension_semantics<subcore_parallel>], iteration_bounds = array<i64: 2, 16>, scalar_prefetch = 0 : i64, scratch_operands = 10 : i64, tpu.core_type = #tpu.core_type<sc_vector_subcore>, window_params = [{transform_indices = #map}, {transform_indices = #map}, {transform_indices = #map1}, {transform_indices = #map1}, {transform_indices = #map}, {transform_indices = #map}]} {
    %mul3A = arith.constant 2 : i32
    %mul3A_0 = arith.muli %arg1, %mul3A : i32
    %add3A = arith.addi %mul3A_0, %arg0 : i32
    %lt3A = arith.constant 4 : i32
    %lt3A_1 = arith.cmpi slt, %add3A, %lt3A : i32
    %jit3A = arith.constant 1 : i32
    %jit3A_2 = arith.constant 0 : i32
    %select_n3A = arith.select %lt3A_1, %jit3A, %jit3A_2 : i32
    %add3A_3 = arith.constant 78 : i32
    %add3A_4 = arith.addi %add3A_3, %select_n3A : i32
    %add3A_5 = arith.constant 0 : i32
    %add3A_6 = arith.addi %add3A_5, %add3A : i32
    %mul3A_7 = arith.constant 128 : i32
    %mul3A_8 = arith.muli %add3A_6, %mul3A_7 : i32
    "tpu.region"() ({
      %run_scoped3A = tpu.sem_alloc : memref<!tpu.dma_semaphore, #tpu.memory_space<semaphore_mem>>
      %dma_start3A_37 = tpu.memref_slice %arg4[%mul3A_8] : memref<320000xi32, #tpu.memory_space<hbm>> -> memref<128xi32, #tpu.memory_space<hbm>>
      %dma_start3A_38 = tpu.memref_slice %arg4[%mul3A_8] : memref<320000xi32, #tpu.memory_space<hbm>> -> memref<128xi32, #tpu.memory_space<hbm>>
      tpu.enqueue_dma source(%dma_start3A_38 : memref<128xi32, #tpu.memory_space<hbm>>) target(%arg8 : memref<128xi32, #tpu.memory_space<vmem>>) target_semaphore(%run_scoped3A : memref<!tpu.dma_semaphore, #tpu.memory_space<semaphore_mem>>)
      %dma_wait3A_39 = tpu.memref_slice %arg4[%mul3A_8] : memref<320000xi32, #tpu.memory_space<hbm>> -> memref<128xi32, #tpu.memory_space<hbm>>
      %dma_wait3A_40 = tpu.memref_slice %arg4[%mul3A_8] : memref<320000xi32, #tpu.memory_space<hbm>> -> memref<128xi32, #tpu.memory_space<hbm>>
      tpu.wait_dma2 semaphore(%run_scoped3A : memref<!tpu.dma_semaphore, #tpu.memory_space<semaphore_mem>>) src(%dma_wait3A_40 : memref<128xi32, #tpu.memory_space<hbm>>) dst(%arg8 : memref<128xi32, #tpu.memory_space<vmem>>)
      tpu.yield
    }) : () -> ()
    %add3A_9 = arith.constant 0 : i32
    %add3A_10 = arith.addi %add3A_9, %add3A : i32
    %mul3A_11 = arith.constant 128 : i32
    %mul3A_12 = arith.muli %add3A_10, %mul3A_11 : i32
    "tpu.region"() ({
      %run_scoped3A = tpu.sem_alloc : memref<!tpu.dma_semaphore, #tpu.memory_space<semaphore_mem>>
      %dma_start3A_37 = tpu.memref_slice %arg5[%mul3A_12] : memref<320000xi32, #tpu.memory_space<hbm>> -> memref<128xi32, #tpu.memory_space<hbm>>
      %dma_start3A_38 = tpu.memref_slice %arg5[%mul3A_12] : memref<320000xi32, #tpu.memory_space<hbm>> -> memref<128xi32, #tpu.memory_space<hbm>>
      tpu.enqueue_dma source(%dma_start3A_38 : memref<128xi32, #tpu.memory_space<hbm>>) target(%arg9 : memref<128xi32, #tpu.memory_space<vmem>>) target_semaphore(%run_scoped3A : memref<!tpu.dma_semaphore, #tpu.memory_space<semaphore_mem>>)
      %dma_wait3A_39 = tpu.memref_slice %arg5[%mul3A_12] : memref<320000xi32, #tpu.memory_space<hbm>> -> memref<128xi32, #tpu.memory_space<hbm>>
      %dma_wait3A_40 = tpu.memref_slice %arg5[%mul3A_12] : memref<320000xi32, #tpu.memory_space<hbm>> -> memref<128xi32, #tpu.memory_space<hbm>>
      tpu.wait_dma2 semaphore(%run_scoped3A : memref<!tpu.dma_semaphore, #tpu.memory_space<semaphore_mem>>) src(%dma_wait3A_40 : memref<128xi32, #tpu.memory_space<hbm>>) dst(%arg9 : memref<128xi32, #tpu.memory_space<vmem>>)
      tpu.yield
    }) : () -> ()
    %dma_start3A = arith.constant 0 : i32
    %dma_start3A_13 = arith.constant 0 : i32
    %dma_start3A_14 = tpu.memref_slice %arg2[%dma_start3A, %dma_start3A_13] : memref<10000x128xf32, #tpu.memory_space<hbm>> -> memref<10000x128xf32, #tpu.memory_space<hbm>>
    tpu.enqueue_indirect_dma source(%dma_start3A_14 : memref<10000x128xf32, #tpu.memory_space<hbm>>) target(%arg12 : memref<128x128xf32, #tpu.memory_space<vmem>>) offsets(%arg8 : memref<128xi32, #tpu.memory_space<vmem>>) semaphore(%arg17 : memref<!tpu.dma_semaphore, #tpu.memory_space<semaphore_mem>>)
    %dma_start3A_15 = arith.constant 0 : i32
    %dma_start3A_16 = arith.constant 0 : i32
    %dma_start3A_17 = tpu.memref_slice %arg3[%dma_start3A_15, %dma_start3A_16] : memref<10000x128xf32, #tpu.memory_space<hbm>> -> memref<10000x128xf32, #tpu.memory_space<hbm>>
    tpu.enqueue_indirect_dma source(%dma_start3A_17 : memref<10000x128xf32, #tpu.memory_space<hbm>>) target(%arg13 : memref<128x128xf32, #tpu.memory_space<vmem>>) offsets(%arg9 : memref<128xi32, #tpu.memory_space<vmem>>) semaphore(%arg17 : memref<!tpu.dma_semaphore, #tpu.memory_space<semaphore_mem>>)
    %scan3A = arith.constant 0 : i32
    %scan3A_18 = arith.constant 0 : i32
    %scan3A_19 = arith.constant 39 : i32
    %scan3A_20 = arith.addi %scan3A_18, %scan3A_19 : i32
    %scan3A_21 = arith.constant 1 : i32
    scf.for %scan3A_37 = %scan3A_18 to %scan3A_20 step %scan3A_21  : i32 {
      %mul3A_38 = arith.constant 2 : i32
      %mul3A_39 = arith.muli %mul3A_38, %scan3A_37 : i32
      %mul3A_40 = arith.constant 2 : i32
      %mul3A_41 = arith.muli %mul3A_40, %scan3A_37 : i32
      %add3A_42 = arith.constant 1 : i32
      %add3A_43 = arith.addi %mul3A_41, %add3A_42 : i32
      %mul3A_44 = arith.constant 2 : i32
      %mul3A_45 = arith.muli %mul3A_44, %scan3A_37 : i32
      %add3A_46 = arith.constant 2 : i32
      %add3A_47 = arith.addi %mul3A_45, %add3A_46 : i32
      %sub3A = arith.constant 1 : i32
      %sub3A_48 = arith.subi %add3A_4, %sub3A : i32
      %min3A = arith.minsi %add3A_47, %sub3A_48 : i32
      %mul3A_49 = arith.constant 32 : i32
      %mul3A_50 = arith.muli %add3A_43, %mul3A_49 : i32
      %add3A_51 = arith.addi %mul3A_50, %add3A : i32
      %mul3A_52 = arith.constant 128 : i32
      %mul3A_53 = arith.muli %add3A_51, %mul3A_52 : i32
      %dma_start3A_54 = tpu.memref_slice %arg4[%mul3A_53] : memref<320000xi32, #tpu.memory_space<hbm>> -> memref<128xi32, #tpu.memory_space<hbm>>
      %dma_start3A_55 = tpu.memref_slice %arg4[%mul3A_53] : memref<320000xi32, #tpu.memory_space<hbm>> -> memref<128xi32, #tpu.memory_space<hbm>>
      tpu.enqueue_dma source(%dma_start3A_55 : memref<128xi32, #tpu.memory_space<hbm>>) target(%arg10 : memref<128xi32, #tpu.memory_space<vmem>>) target_semaphore(%arg16 : memref<!tpu.dma_semaphore, #tpu.memory_space<semaphore_mem>>)
      %mul3A_56 = arith.constant 32 : i32
      %mul3A_57 = arith.muli %add3A_43, %mul3A_56 : i32
      %add3A_58 = arith.addi %mul3A_57, %add3A : i32
      %mul3A_59 = arith.constant 128 : i32
      %mul3A_60 = arith.muli %add3A_58, %mul3A_59 : i32
      %dma_start3A_61 = tpu.memref_slice %arg5[%mul3A_60] : memref<320000xi32, #tpu.memory_space<hbm>> -> memref<128xi32, #tpu.memory_space<hbm>>
      %dma_start3A_62 = tpu.memref_slice %arg5[%mul3A_60] : memref<320000xi32, #tpu.memory_space<hbm>> -> memref<128xi32, #tpu.memory_space<hbm>>
      tpu.enqueue_dma source(%dma_start3A_62 : memref<128xi32, #tpu.memory_space<hbm>>) target(%arg11 : memref<128xi32, #tpu.memory_space<vmem>>) target_semaphore(%arg16 : memref<!tpu.dma_semaphore, #tpu.memory_space<semaphore_mem>>)
      %dma_wait3A_63 = arith.constant 0 : i32
      %dma_wait3A_64 = arith.constant 0 : i32
      %dma_wait3A_65 = tpu.memref_slice %arg2[%dma_wait3A_63, %dma_wait3A_64] : memref<10000x128xf32, #tpu.memory_space<hbm>> -> memref<10000x128xf32, #tpu.memory_space<hbm>>
      tpu.wait_indirect_dma semaphore(%arg17 : memref<!tpu.dma_semaphore, #tpu.memory_space<semaphore_mem>>) src(%dma_wait3A_65 : memref<10000x128xf32, #tpu.memory_space<hbm>>) dst(%arg12 : memref<128x128xf32, #tpu.memory_space<vmem>>)
      %dma_wait3A_66 = arith.constant 0 : i32
      %dma_wait3A_67 = arith.constant 0 : i32
      %dma_wait3A_68 = tpu.memref_slice %arg3[%dma_wait3A_66, %dma_wait3A_67] : memref<10000x128xf32, #tpu.memory_space<hbm>> -> memref<10000x128xf32, #tpu.memory_space<hbm>>
      tpu.wait_indirect_dma semaphore(%arg17 : memref<!tpu.dma_semaphore, #tpu.memory_space<semaphore_mem>>) src(%dma_wait3A_68 : memref<10000x128xf32, #tpu.memory_space<hbm>>) dst(%arg13 : memref<128x128xf32, #tpu.memory_space<vmem>>)
      %dma_wait3A_69 = arith.constant 0 : i32
      %dma_wait3A_70 = tpu.memref_slice %arg4[%dma_wait3A_69] : memref<320000xi32, #tpu.memory_space<hbm>> -> memref<128xi32, #tpu.memory_space<hbm>>
      %dma_wait3A_71 = arith.constant 0 : i32
      %dma_wait3A_72 = tpu.memref_slice %arg4[%dma_wait3A_71] : memref<320000xi32, #tpu.memory_space<hbm>> -> memref<128xi32, #tpu.memory_space<hbm>>
      tpu.wait_dma2 semaphore(%arg16 : memref<!tpu.dma_semaphore, #tpu.memory_space<semaphore_mem>>) src(%dma_wait3A_72 : memref<128xi32, #tpu.memory_space<hbm>>) dst(%arg10 : memref<128xi32, #tpu.memory_space<vmem>>)
      %dma_wait3A_73 = arith.constant 0 : i32
      %dma_wait3A_74 = tpu.memref_slice %arg5[%dma_wait3A_73] : memref<320000xi32, #tpu.memory_space<hbm>> -> memref<128xi32, #tpu.memory_space<hbm>>
      %dma_wait3A_75 = arith.constant 0 : i32
      %dma_wait3A_76 = tpu.memref_slice %arg5[%dma_wait3A_75] : memref<320000xi32, #tpu.memory_space<hbm>> -> memref<128xi32, #tpu.memory_space<hbm>>
      tpu.wait_dma2 semaphore(%arg16 : memref<!tpu.dma_semaphore, #tpu.memory_space<semaphore_mem>>) src(%dma_wait3A_76 : memref<128xi32, #tpu.memory_space<hbm>>) dst(%arg11 : memref<128xi32, #tpu.memory_space<vmem>>)
      %dma_start3A_77 = arith.constant 0 : i32
      %dma_start3A_78 = arith.constant 0 : i32
      %dma_start3A_79 = tpu.memref_slice %arg2[%dma_start3A_77, %dma_start3A_78] : memref<10000x128xf32, #tpu.memory_space<hbm>> -> memref<10000x128xf32, #tpu.memory_space<hbm>>
      tpu.enqueue_indirect_dma source(%dma_start3A_79 : memref<10000x128xf32, #tpu.memory_space<hbm>>) target(%arg14 : memref<128x128xf32, #tpu.memory_space<vmem>>) offsets(%arg10 : memref<128xi32, #tpu.memory_space<vmem>>) semaphore(%arg17 : memref<!tpu.dma_semaphore, #tpu.memory_space<semaphore_mem>>)
      %dma_start3A_80 = arith.constant 0 : i32
      %dma_start3A_81 = arith.constant 0 : i32
      %dma_start3A_82 = tpu.memref_slice %arg3[%dma_start3A_80, %dma_start3A_81] : memref<10000x128xf32, #tpu.memory_space<hbm>> -> memref<10000x128xf32, #tpu.memory_space<hbm>>
      tpu.enqueue_indirect_dma source(%dma_start3A_82 : memref<10000x128xf32, #tpu.memory_space<hbm>>) target(%arg15 : memref<128x128xf32, #tpu.memory_space<vmem>>) offsets(%arg11 : memref<128xi32, #tpu.memory_space<vmem>>) semaphore(%arg17 : memref<!tpu.dma_semaphore, #tpu.memory_space<semaphore_mem>>)
      %mul3A_83 = arith.constant 32 : i32
      %mul3A_84 = arith.muli %mul3A_39, %mul3A_83 : i32
      %add3A_85 = arith.addi %mul3A_84, %add3A : i32
      %mul3A_86 = arith.constant 128 : i32
      %mul3A_87 = arith.muli %add3A_85, %mul3A_86 : i32
      "tpu.region"() ({
        %run_scoped3A = tpu.sem_alloc : memref<!tpu.dma_semaphore, #tpu.memory_space<semaphore_mem>>
        %dma_start3A_137 = arith.constant 0 : i32
        %dma_start3A_138 = tpu.memref_slice %arg6[%mul3A_87, %dma_start3A_137] : memref<320000x128xf32, #tpu.memory_space<hbm>> -> memref<128x128xf32, #tpu.memory_space<hbm>>
        %dma_start3A_139 = arith.constant 0 : i32
        %dma_start3A_140 = tpu.memref_slice %arg6[%mul3A_87, %dma_start3A_139] : memref<320000x128xf32, #tpu.memory_space<hbm>> -> memref<128x128xf32, #tpu.memory_space<hbm>>
        tpu.enqueue_dma source(%arg12 : memref<128x128xf32, #tpu.memory_space<vmem>>) target(%dma_start3A_140 : memref<128x128xf32, #tpu.memory_space<hbm>>) target_semaphore(%run_scoped3A : memref<!tpu.dma_semaphore, #tpu.memory_space<semaphore_mem>>)
        %dma_wait3A_141 = arith.constant 0 : i32
        %dma_wait3A_142 = tpu.memref_slice %arg6[%mul3A_87, %dma_wait3A_141] : memref<320000x128xf32, #tpu.memory_space<hbm>> -> memref<128x128xf32, #tpu.memory_space<hbm>>
        %dma_wait3A_143 = arith.constant 0 : i32
        %dma_wait3A_144 = tpu.memref_slice %arg6[%mul3A_87, %dma_wait3A_143] : memref<320000x128xf32, #tpu.memory_space<hbm>> -> memref<128x128xf32, #tpu.memory_space<hbm>>
        tpu.wait_dma2 semaphore(%run_scoped3A : memref<!tpu.dma_semaphore, #tpu.memory_space<semaphore_mem>>) src(%arg12 : memref<128x128xf32, #tpu.memory_space<vmem>>) dst(%dma_wait3A_144 : memref<128x128xf32, #tpu.memory_space<hbm>>)
        tpu.yield
      }) : () -> ()
      %mul3A_88 = arith.constant 32 : i32
      %mul3A_89 = arith.muli %mul3A_39, %mul3A_88 : i32
      %add3A_90 = arith.addi %mul3A_89, %add3A : i32
      %mul3A_91 = arith.constant 128 : i32
      %mul3A_92 = arith.muli %add3A_90, %mul3A_91 : i32
      "tpu.region"() ({
        %run_scoped3A = tpu.sem_alloc : memref<!tpu.dma_semaphore, #tpu.memory_space<semaphore_mem>>
        %dma_start3A_137 = arith.constant 0 : i32
        %dma_start3A_138 = tpu.memref_slice %arg7[%mul3A_92, %dma_start3A_137] : memref<320000x128xf32, #tpu.memory_space<hbm>> -> memref<128x128xf32, #tpu.memory_space<hbm>>
        %dma_start3A_139 = arith.constant 0 : i32
        %dma_start3A_140 = tpu.memref_slice %arg7[%mul3A_92, %dma_start3A_139] : memref<320000x128xf32, #tpu.memory_space<hbm>> -> memref<128x128xf32, #tpu.memory_space<hbm>>
        tpu.enqueue_dma source(%arg13 : memref<128x128xf32, #tpu.memory_space<vmem>>) target(%dma_start3A_140 : memref<128x128xf32, #tpu.memory_space<hbm>>) target_semaphore(%run_scoped3A : memref<!tpu.dma_semaphore, #tpu.memory_space<semaphore_mem>>)
        %dma_wait3A_141 = arith.constant 0 : i32
        %dma_wait3A_142 = tpu.memref_slice %arg7[%mul3A_92, %dma_wait3A_141] : memref<320000x128xf32, #tpu.memory_space<hbm>> -> memref<128x128xf32, #tpu.memory_space<hbm>>
        %dma_wait3A_143 = arith.constant 0 : i32
        %dma_wait3A_144 = tpu.memref_slice %arg7[%mul3A_92, %dma_wait3A_143] : memref<320000x128xf32, #tpu.memory_space<hbm>> -> memref<128x128xf32, #tpu.memory_space<hbm>>
        tpu.wait_dma2 semaphore(%run_scoped3A : memref<!tpu.dma_semaphore, #tpu.memory_space<semaphore_mem>>) src(%arg13 : memref<128x128xf32, #tpu.memory_space<vmem>>) dst(%dma_wait3A_144 : memref<128x128xf32, #tpu.memory_space<hbm>>)
        tpu.yield
      }) : () -> ()
      %mul3A_93 = arith.constant 32 : i32
      %mul3A_94 = arith.muli %min3A, %mul3A_93 : i32
      %add3A_95 = arith.addi %mul3A_94, %add3A : i32
      %mul3A_96 = arith.constant 128 : i32
      %mul3A_97 = arith.muli %add3A_95, %mul3A_96 : i32
      %dma_start3A_98 = tpu.memref_slice %arg4[%mul3A_97] : memref<320000xi32, #tpu.memory_space<hbm>> -> memref<128xi32, #tpu.memory_space<hbm>>
      %dma_start3A_99 = tpu.memref_slice %arg4[%mul3A_97] : memref<320000xi32, #tpu.memory_space<hbm>> -> memref<128xi32, #tpu.memory_space<hbm>>
      tpu.enqueue_dma source(%dma_start3A_99 : memref<128xi32, #tpu.memory_space<hbm>>) target(%arg8 : memref<128xi32, #tpu.memory_space<vmem>>) target_semaphore(%arg16 : memref<!tpu.dma_semaphore, #tpu.memory_space<semaphore_mem>>)
      %mul3A_100 = arith.constant 32 : i32
      %mul3A_101 = arith.muli %min3A, %mul3A_100 : i32
      %add3A_102 = arith.addi %mul3A_101, %add3A : i32
      %mul3A_103 = arith.constant 128 : i32
      %mul3A_104 = arith.muli %add3A_102, %mul3A_103 : i32
      %dma_start3A_105 = tpu.memref_slice %arg5[%mul3A_104] : memref<320000xi32, #tpu.memory_space<hbm>> -> memref<128xi32, #tpu.memory_space<hbm>>
      %dma_start3A_106 = tpu.memref_slice %arg5[%mul3A_104] : memref<320000xi32, #tpu.memory_space<hbm>> -> memref<128xi32, #tpu.memory_space<hbm>>
      tpu.enqueue_dma source(%dma_start3A_106 : memref<128xi32, #tpu.memory_space<hbm>>) target(%arg9 : memref<128xi32, #tpu.memory_space<vmem>>) target_semaphore(%arg16 : memref<!tpu.dma_semaphore, #tpu.memory_space<semaphore_mem>>)
      %dma_wait3A_107 = arith.constant 0 : i32
      %dma_wait3A_108 = arith.constant 0 : i32
      %dma_wait3A_109 = tpu.memref_slice %arg2[%dma_wait3A_107, %dma_wait3A_108] : memref<10000x128xf32, #tpu.memory_space<hbm>> -> memref<10000x128xf32, #tpu.memory_space<hbm>>
      tpu.wait_indirect_dma semaphore(%arg17 : memref<!tpu.dma_semaphore, #tpu.memory_space<semaphore_mem>>) src(%dma_wait3A_109 : memref<10000x128xf32, #tpu.memory_space<hbm>>) dst(%arg14 : memref<128x128xf32, #tpu.memory_space<vmem>>)
      %dma_wait3A_110 = arith.constant 0 : i32
      %dma_wait3A_111 = arith.constant 0 : i32
      %dma_wait3A_112 = tpu.memref_slice %arg3[%dma_wait3A_110, %dma_wait3A_111] : memref<10000x128xf32, #tpu.memory_space<hbm>> -> memref<10000x128xf32, #tpu.memory_space<hbm>>
      tpu.wait_indirect_dma semaphore(%arg17 : memref<!tpu.dma_semaphore, #tpu.memory_space<semaphore_mem>>) src(%dma_wait3A_112 : memref<10000x128xf32, #tpu.memory_space<hbm>>) dst(%arg15 : memref<128x128xf32, #tpu.memory_space<vmem>>)
      %dma_wait3A_113 = arith.constant 0 : i32
      %dma_wait3A_114 = tpu.memref_slice %arg4[%dma_wait3A_113] : memref<320000xi32, #tpu.memory_space<hbm>> -> memref<128xi32, #tpu.memory_space<hbm>>
      %dma_wait3A_115 = arith.constant 0 : i32
      %dma_wait3A_116 = tpu.memref_slice %arg4[%dma_wait3A_115] : memref<320000xi32, #tpu.memory_space<hbm>> -> memref<128xi32, #tpu.memory_space<hbm>>
      tpu.wait_dma2 semaphore(%arg16 : memref<!tpu.dma_semaphore, #tpu.memory_space<semaphore_mem>>) src(%dma_wait3A_116 : memref<128xi32, #tpu.memory_space<hbm>>) dst(%arg8 : memref<128xi32, #tpu.memory_space<vmem>>)
      %dma_wait3A_117 = arith.constant 0 : i32
      %dma_wait3A_118 = tpu.memref_slice %arg5[%dma_wait3A_117] : memref<320000xi32, #tpu.memory_space<hbm>> -> memref<128xi32, #tpu.memory_space<hbm>>
      %dma_wait3A_119 = arith.constant 0 : i32
      %dma_wait3A_120 = tpu.memref_slice %arg5[%dma_wait3A_119] : memref<320000xi32, #tpu.memory_space<hbm>> -> memref<128xi32, #tpu.memory_space<hbm>>
      tpu.wait_dma2 semaphore(%arg16 : memref<!tpu.dma_semaphore, #tpu.memory_space<semaphore_mem>>) src(%dma_wait3A_120 : memref<128xi32, #tpu.memory_space<hbm>>) dst(%arg9 : memref<128xi32, #tpu.memory_space<vmem>>)
      %dma_start3A_121 = arith.constant 0 : i32
      %dma_start3A_122 = arith.constant 0 : i32
      %dma_start3A_123 = tpu.memref_slice %arg2[%dma_start3A_121, %dma_start3A_122] : memref<10000x128xf32, #tpu.memory_space<hbm>> -> memref<10000x128xf32, #tpu.memory_space<hbm>>
      tpu.enqueue_indirect_dma source(%dma_start3A_123 : memref<10000x128xf32, #tpu.memory_space<hbm>>) target(%arg12 : memref<128x128xf32, #tpu.memory_space<vmem>>) offsets(%arg8 : memref<128xi32, #tpu.memory_space<vmem>>) semaphore(%arg17 : memref<!tpu.dma_semaphore, #tpu.memory_space<semaphore_mem>>)
      %dma_start3A_124 = arith.constant 0 : i32
      %dma_start3A_125 = arith.constant 0 : i32
      %dma_start3A_126 = tpu.memref_slice %arg3[%dma_start3A_124, %dma_start3A_125] : memref<10000x128xf32, #tpu.memory_space<hbm>> -> memref<10000x128xf32, #tpu.memory_space<hbm>>
      tpu.enqueue_indirect_dma source(%dma_start3A_126 : memref<10000x128xf32, #tpu.memory_space<hbm>>) target(%arg13 : memref<128x128xf32, #tpu.memory_space<vmem>>) offsets(%arg9 : memref<128xi32, #tpu.memory_space<vmem>>) semaphore(%arg17 : memref<!tpu.dma_semaphore, #tpu.memory_space<semaphore_mem>>)
      %mul3A_127 = arith.constant 32 : i32
      %mul3A_128 = arith.muli %add3A_43, %mul3A_127 : i32
      %add3A_129 = arith.addi %mul3A_128, %add3A : i32
      %mul3A_130 = arith.constant 128 : i32
      %mul3A_131 = arith.muli %add3A_129, %mul3A_130 : i32
      "tpu.region"() ({
        %run_scoped3A = tpu.sem_alloc : memref<!tpu.dma_semaphore, #tpu.memory_space<semaphore_mem>>
        %dma_start3A_137 = arith.constant 0 : i32
        %dma_start3A_138 = tpu.memref_slice %arg6[%mul3A_131, %dma_start3A_137] : memref<320000x128xf32, #tpu.memory_space<hbm>> -> memref<128x128xf32, #tpu.memory_space<hbm>>
        %dma_start3A_139 = arith.constant 0 : i32
        %dma_start3A_140 = tpu.memref_slice %arg6[%mul3A_131, %dma_start3A_139] : memref<320000x128xf32, #tpu.memory_space<hbm>> -> memref<128x128xf32, #tpu.memory_space<hbm>>
        tpu.enqueue_dma source(%arg14 : memref<128x128xf32, #tpu.memory_space<vmem>>) target(%dma_start3A_140 : memref<128x128xf32, #tpu.memory_space<hbm>>) target_semaphore(%run_scoped3A : memref<!tpu.dma_semaphore, #tpu.memory_space<semaphore_mem>>)
        %dma_wait3A_141 = arith.constant 0 : i32
        %dma_wait3A_142 = tpu.memref_slice %arg6[%mul3A_131, %dma_wait3A_141] : memref<320000x128xf32, #tpu.memory_space<hbm>> -> memref<128x128xf32, #tpu.memory_space<hbm>>
        %dma_wait3A_143 = arith.constant 0 : i32
        %dma_wait3A_144 = tpu.memref_slice %arg6[%mul3A_131, %dma_wait3A_143] : memref<320000x128xf32, #tpu.memory_space<hbm>> -> memref<128x128xf32, #tpu.memory_space<hbm>>
        tpu.wait_dma2 semaphore(%run_scoped3A : memref<!tpu.dma_semaphore, #tpu.memory_space<semaphore_mem>>) src(%arg14 : memref<128x128xf32, #tpu.memory_space<vmem>>) dst(%dma_wait3A_144 : memref<128x128xf32, #tpu.memory_space<hbm>>)
        tpu.yield
      }) : () -> ()
      %mul3A_132 = arith.constant 32 : i32
      %mul3A_133 = arith.muli %add3A_43, %mul3A_132 : i32
      %add3A_134 = arith.addi %mul3A_133, %add3A : i32
      %mul3A_135 = arith.constant 128 : i32
      %mul3A_136 = arith.muli %add3A_134, %mul3A_135 : i32
      "tpu.region"() ({
        %run_scoped3A = tpu.sem_alloc : memref<!tpu.dma_semaphore, #tpu.memory_space<semaphore_mem>>
        %dma_start3A_137 = arith.constant 0 : i32
        %dma_start3A_138 = tpu.memref_slice %arg7[%mul3A_136, %dma_start3A_137] : memref<320000x128xf32, #tpu.memory_space<hbm>> -> memref<128x128xf32, #tpu.memory_space<hbm>>
        %dma_start3A_139 = arith.constant 0 : i32
        %dma_start3A_140 = tpu.memref_slice %arg7[%mul3A_136, %dma_start3A_139] : memref<320000x128xf32, #tpu.memory_space<hbm>> -> memref<128x128xf32, #tpu.memory_space<hbm>>
        tpu.enqueue_dma source(%arg15 : memref<128x128xf32, #tpu.memory_space<vmem>>) target(%dma_start3A_140 : memref<128x128xf32, #tpu.memory_space<hbm>>) target_semaphore(%run_scoped3A : memref<!tpu.dma_semaphore, #tpu.memory_space<semaphore_mem>>)
        %dma_wait3A_141 = arith.constant 0 : i32
        %dma_wait3A_142 = tpu.memref_slice %arg7[%mul3A_136, %dma_wait3A_141] : memref<320000x128xf32, #tpu.memory_space<hbm>> -> memref<128x128xf32, #tpu.memory_space<hbm>>
        %dma_wait3A_143 = arith.constant 0 : i32
        %dma_wait3A_144 = tpu.memref_slice %arg7[%mul3A_136, %dma_wait3A_143] : memref<320000x128xf32, #tpu.memory_space<hbm>> -> memref<128x128xf32, #tpu.memory_space<hbm>>
        tpu.wait_dma2 semaphore(%run_scoped3A : memref<!tpu.dma_semaphore, #tpu.memory_space<semaphore_mem>>) src(%arg15 : memref<128x128xf32, #tpu.memory_space<vmem>>) dst(%dma_wait3A_144 : memref<128x128xf32, #tpu.memory_space<hbm>>)
        tpu.yield
      }) : () -> ()
    }
    %scan3A_22 = arith.constant 39 : i32
    %dma_wait3A = arith.constant 0 : i32
    %dma_wait3A_23 = arith.constant 0 : i32
    %dma_wait3A_24 = tpu.memref_slice %arg2[%dma_wait3A, %dma_wait3A_23] : memref<10000x128xf32, #tpu.memory_space<hbm>> -> memref<10000x128xf32, #tpu.memory_space<hbm>>
    tpu.wait_indirect_dma semaphore(%arg17 : memref<!tpu.dma_semaphore, #tpu.memory_space<semaphore_mem>>) src(%dma_wait3A_24 : memref<10000x128xf32, #tpu.memory_space<hbm>>) dst(%arg12 : memref<128x128xf32, #tpu.memory_space<vmem>>)
    %dma_wait3A_25 = arith.constant 0 : i32
    %dma_wait3A_26 = arith.constant 0 : i32
    %dma_wait3A_27 = tpu.memref_slice %arg3[%dma_wait3A_25, %dma_wait3A_26] : memref<10000x128xf32, #tpu.memory_space<hbm>> -> memref<10000x128xf32, #tpu.memory_space<hbm>>
    tpu.wait_indirect_dma semaphore(%arg17 : memref<!tpu.dma_semaphore, #tpu.memory_space<semaphore_mem>>) src(%dma_wait3A_27 : memref<10000x128xf32, #tpu.memory_space<hbm>>) dst(%arg13 : memref<128x128xf32, #tpu.memory_space<vmem>>)
    %while3A = arith.constant 0 : i32
    %while3A_28 = arith.constant 0 : i32
    %while3A_29 = arith.subi %select_n3A, %while3A_28 : i32
    %while3A_30 = arith.addi %while3A_28, %while3A_29 : i32
    %while3A_31 = arith.constant 1 : i32
    %while3A_32 = arith.divsi %while3A_29, %while3A_31 : i32
    %while3A_33 = arith.muli %while3A_32, %while3A_31 : i32
    %while3A_34 = arith.addi %while3A_28, %while3A_33 : i32
    %while3A_35 = arith.constant 1 : i32
    scf.for %while3A_37 = %while3A_28 to %while3A_34 step %while3A_35  : i32 {
      %add3A_38 = arith.constant 2496 : i32
      %add3A_39 = arith.addi %add3A_38, %add3A : i32
      %mul3A_40 = arith.constant 128 : i32
      %mul3A_41 = arith.muli %add3A_39, %mul3A_40 : i32
      "tpu.region"() ({
        %run_scoped3A = tpu.sem_alloc : memref<!tpu.dma_semaphore, #tpu.memory_space<semaphore_mem>>
        %dma_start3A_46 = arith.constant 0 : i32
        %dma_start3A_47 = tpu.memref_slice %arg6[%mul3A_41, %dma_start3A_46] : memref<320000x128xf32, #tpu.memory_space<hbm>> -> memref<128x128xf32, #tpu.memory_space<hbm>>
        %dma_start3A_48 = arith.constant 0 : i32
        %dma_start3A_49 = tpu.memref_slice %arg6[%mul3A_41, %dma_start3A_48] : memref<320000x128xf32, #tpu.memory_space<hbm>> -> memref<128x128xf32, #tpu.memory_space<hbm>>
        tpu.enqueue_dma source(%arg12 : memref<128x128xf32, #tpu.memory_space<vmem>>) target(%dma_start3A_49 : memref<128x128xf32, #tpu.memory_space<hbm>>) target_semaphore(%run_scoped3A : memref<!tpu.dma_semaphore, #tpu.memory_space<semaphore_mem>>)
        %dma_wait3A_50 = arith.constant 0 : i32
        %dma_wait3A_51 = tpu.memref_slice %arg6[%mul3A_41, %dma_wait3A_50] : memref<320000x128xf32, #tpu.memory_space<hbm>> -> memref<128x128xf32, #tpu.memory_space<hbm>>
        %dma_wait3A_52 = arith.constant 0 : i32
        %dma_wait3A_53 = tpu.memref_slice %arg6[%mul3A_41, %dma_wait3A_52] : memref<320000x128xf32, #tpu.memory_space<hbm>> -> memref<128x128xf32, #tpu.memory_space<hbm>>
        tpu.wait_dma2 semaphore(%run_scoped3A : memref<!tpu.dma_semaphore, #tpu.memory_space<semaphore_mem>>) src(%arg12 : memref<128x128xf32, #tpu.memory_space<vmem>>) dst(%dma_wait3A_53 : memref<128x128xf32, #tpu.memory_space<hbm>>)
        tpu.yield
      }) : () -> ()
      %add3A_42 = arith.constant 2496 : i32
      %add3A_43 = arith.addi %add3A_42, %add3A : i32
      %mul3A_44 = arith.constant 128 : i32
      %mul3A_45 = arith.muli %add3A_43, %mul3A_44 : i32
      "tpu.region"() ({
        %run_scoped3A = tpu.sem_alloc : memref<!tpu.dma_semaphore, #tpu.memory_space<semaphore_mem>>
        %dma_start3A_46 = arith.constant 0 : i32
        %dma_start3A_47 = tpu.memref_slice %arg7[%mul3A_45, %dma_start3A_46] : memref<320000x128xf32, #tpu.memory_space<hbm>> -> memref<128x128xf32, #tpu.memory_space<hbm>>
        %dma_start3A_48 = arith.constant 0 : i32
        %dma_start3A_49 = tpu.memref_slice %arg7[%mul3A_45, %dma_start3A_48] : memref<320000x128xf32, #tpu.memory_space<hbm>> -> memref<128x128xf32, #tpu.memory_space<hbm>>
        tpu.enqueue_dma source(%arg13 : memref<128x128xf32, #tpu.memory_space<vmem>>) target(%dma_start3A_49 : memref<128x128xf32, #tpu.memory_space<hbm>>) target_semaphore(%run_scoped3A : memref<!tpu.dma_semaphore, #tpu.memory_space<semaphore_mem>>)
        %dma_wait3A_50 = arith.constant 0 : i32
        %dma_wait3A_51 = tpu.memref_slice %arg7[%mul3A_45, %dma_wait3A_50] : memref<320000x128xf32, #tpu.memory_space<hbm>> -> memref<128x128xf32, #tpu.memory_space<hbm>>
        %dma_wait3A_52 = arith.constant 0 : i32
        %dma_wait3A_53 = tpu.memref_slice %arg7[%mul3A_45, %dma_wait3A_52] : memref<320000x128xf32, #tpu.memory_space<hbm>> -> memref<128x128xf32, #tpu.memory_space<hbm>>
        tpu.wait_dma2 semaphore(%run_scoped3A : memref<!tpu.dma_semaphore, #tpu.memory_space<semaphore_mem>>) src(%arg13 : memref<128x128xf32, #tpu.memory_space<vmem>>) dst(%dma_wait3A_53 : memref<128x128xf32, #tpu.memory_space<hbm>>)
        tpu.yield
      }) : () -> ()
    }
    %while3A_36 = arith.constant 1 : i32
    scf.for %while3A_37 = %while3A_34 to %while3A_30 step %while3A_36  : i32 {
      %add3A_38 = arith.constant 2496 : i32
      %add3A_39 = arith.addi %add3A_38, %add3A : i32
      %mul3A_40 = arith.constant 128 : i32
      %mul3A_41 = arith.muli %add3A_39, %mul3A_40 : i32
      "tpu.region"() ({
        %run_scoped3A = tpu.sem_alloc : memref<!tpu.dma_semaphore, #tpu.memory_space<semaphore_mem>>
        %dma_start3A_46 = arith.constant 0 : i32
        %dma_start3A_47 = tpu.memref_slice %arg6[%mul3A_41, %dma_start3A_46] : memref<320000x128xf32, #tpu.memory_space<hbm>> -> memref<128x128xf32, #tpu.memory_space<hbm>>
        %dma_start3A_48 = arith.constant 0 : i32
        %dma_start3A_49 = tpu.memref_slice %arg6[%mul3A_41, %dma_start3A_48] : memref<320000x128xf32, #tpu.memory_space<hbm>> -> memref<128x128xf32, #tpu.memory_space<hbm>>
        tpu.enqueue_dma source(%arg12 : memref<128x128xf32, #tpu.memory_space<vmem>>) target(%dma_start3A_49 : memref<128x128xf32, #tpu.memory_space<hbm>>) target_semaphore(%run_scoped3A : memref<!tpu.dma_semaphore, #tpu.memory_space<semaphore_mem>>)
        %dma_wait3A_50 = arith.constant 0 : i32
        %dma_wait3A_51 = tpu.memref_slice %arg6[%mul3A_41, %dma_wait3A_50] : memref<320000x128xf32, #tpu.memory_space<hbm>> -> memref<128x128xf32, #tpu.memory_space<hbm>>
        %dma_wait3A_52 = arith.constant 0 : i32
        %dma_wait3A_53 = tpu.memref_slice %arg6[%mul3A_41, %dma_wait3A_52] : memref<320000x128xf32, #tpu.memory_space<hbm>> -> memref<128x128xf32, #tpu.memory_space<hbm>>
        tpu.wait_dma2 semaphore(%run_scoped3A : memref<!tpu.dma_semaphore, #tpu.memory_space<semaphore_mem>>) src(%arg12 : memref<128x128xf32, #tpu.memory_space<vmem>>) dst(%dma_wait3A_53 : memref<128x128xf32, #tpu.memory_space<hbm>>)
        tpu.yield
      }) : () -> ()
      %add3A_42 = arith.constant 2496 : i32
      %add3A_43 = arith.addi %add3A_42, %add3A : i32
      %mul3A_44 = arith.constant 128 : i32
      %mul3A_45 = arith.muli %add3A_43, %mul3A_44 : i32
      "tpu.region"() ({
        %run_scoped3A = tpu.sem_alloc : memref<!tpu.dma_semaphore, #tpu.memory_space<semaphore_mem>>
        %dma_start3A_46 = arith.constant 0 : i32
        %dma_start3A_47 = tpu.memref_slice %arg7[%mul3A_45, %dma_start3A_46] : memref<320000x128xf32, #tpu.memory_space<hbm>> -> memref<128x128xf32, #tpu.memory_space<hbm>>
        %dma_start3A_48 = arith.constant 0 : i32
        %dma_start3A_49 = tpu.memref_slice %arg7[%mul3A_45, %dma_start3A_48] : memref<320000x128xf32, #tpu.memory_space<hbm>> -> memref<128x128xf32, #tpu.memory_space<hbm>>
        tpu.enqueue_dma source(%arg13 : memref<128x128xf32, #tpu.memory_space<vmem>>) target(%dma_start3A_49 : memref<128x128xf32, #tpu.memory_space<hbm>>) target_semaphore(%run_scoped3A : memref<!tpu.dma_semaphore, #tpu.memory_space<semaphore_mem>>)
        %dma_wait3A_50 = arith.constant 0 : i32
        %dma_wait3A_51 = tpu.memref_slice %arg7[%mul3A_45, %dma_wait3A_50] : memref<320000x128xf32, #tpu.memory_space<hbm>> -> memref<128x128xf32, #tpu.memory_space<hbm>>
        %dma_wait3A_52 = arith.constant 0 : i32
        %dma_wait3A_53 = tpu.memref_slice %arg7[%mul3A_45, %dma_wait3A_52] : memref<320000x128xf32, #tpu.memory_space<hbm>> -> memref<128x128xf32, #tpu.memory_space<hbm>>
        tpu.wait_dma2 semaphore(%run_scoped3A : memref<!tpu.dma_semaphore, #tpu.memory_space<semaphore_mem>>) src(%arg13 : memref<128x128xf32, #tpu.memory_space<vmem>>) dst(%dma_wait3A_53 : memref<128x128xf32, #tpu.memory_space<hbm>>)
        tpu.yield
      }) : () -> ()
    }
    return
  }
}

#map = affine_map<(d0, d1) -> (0, 0)>
#map1 = affine_map<(d0, d1) -> (0)>
#map2 = affine_map<(d0, d1) -> (0, 0, 0)>
module attributes {stable_mosaic.version = 14 : i64} {
  func.func @k(%arg0: i32, %arg1: i32, %arg2: memref<320000x128xf32, #tpu.memory_space<hbm>>, %arg3: memref<320000xi32, #tpu.memory_space<hbm>>, %arg4: memref<128x128xf32, #tpu.memory_space<hbm>>, %arg5: memref<128xf32, #tpu.memory_space<hbm>>, %arg6: memref<128xf32, #tpu.memory_space<hbm>>, %arg7: memref<2x10240x128xf32, #tpu.memory_space<hbm>>, %arg8: memref<20480xf32, #tpu.memory_space<hbm>>, %arg9: memref<128x128xf32, #tpu.memory_space<vmem>>, %arg10: memref<128x128xf32, #tpu.memory_space<vmem>>, %arg11: memref<128xi32, #tpu.memory_space<vmem>>, %arg12: memref<128xi32, #tpu.memory_space<vmem>>, %arg13: memref<128xf32, #tpu.memory_space<vmem>>, %arg14: memref<10240x128xf32, #tpu.memory_space<vmem_shared>>, %arg15: memref<10240xf32, #tpu.memory_space<vmem_shared>>, %arg16: memref<!tpu.dma_semaphore, #tpu.memory_space<semaphore_mem>>) attributes {dimension_semantics = [#tpu.dimension_semantics<core_parallel>, #tpu.dimension_semantics<subcore_parallel>], iteration_bounds = array<i64: 2, 16>, scalar_prefetch = 0 : i64, scratch_operands = 8 : i64, tpu.core_type = #tpu.core_type<sc_vector_subcore>, window_params = [{transform_indices = #map}, {transform_indices = #map1}, {transform_indices = #map}, {transform_indices = #map1}, {transform_indices = #map1}, {transform_indices = #map2}, {transform_indices = #map1}]} {
    %mul3A = arith.constant 2 : i32
    %mul3A_0 = arith.muli %arg1, %mul3A : i32
    %add3A = arith.addi %mul3A_0, %arg0 : i32
    "tpu.region"() ({
      %run_scoped3A = tpu.sem_alloc : memref<!tpu.dma_semaphore, #tpu.memory_space<semaphore_mem>>
      tpu.enqueue_dma source(%arg6 : memref<128xf32, #tpu.memory_space<hbm>>) target(%arg13 : memref<128xf32, #tpu.memory_space<vmem>>) target_semaphore(%run_scoped3A : memref<!tpu.dma_semaphore, #tpu.memory_space<semaphore_mem>>)
      tpu.wait_dma2 semaphore(%run_scoped3A : memref<!tpu.dma_semaphore, #tpu.memory_space<semaphore_mem>>) src(%arg6 : memref<128xf32, #tpu.memory_space<hbm>>) dst(%arg13 : memref<128xf32, #tpu.memory_space<vmem>>)
      tpu.yield
    }) : () -> ()
    %scan3A = arith.constant 0 : i32
    %scan3A_1 = arith.constant 0 : i32
    %scan3A_2 = arith.constant 5 : i32
    %scan3A_3 = arith.addi %scan3A_1, %scan3A_2 : i32
    %scan3A_4 = arith.constant 1 : i32
    scf.for %scan3A_54 = %scan3A_1 to %scan3A_3 step %scan3A_4  : i32 {
      %mul3A_55 = arith.constant 16 : i32
      %mul3A_56 = arith.muli %scan3A_54, %mul3A_55 : i32
      %add3A_57 = arith.addi %mul3A_56, %arg1 : i32
      %mul3A_58 = arith.constant 128 : i32
      %mul3A_59 = arith.muli %add3A_57, %mul3A_58 : i32
      "tpu.region"() ({
        %run_scoped3A = tpu.sem_alloc : memref<!tpu.dma_semaphore, #tpu.memory_space<semaphore_mem>>
        %dma_start3A_60 = arith.constant 0 : i32
        %dma_start3A_61 = tpu.memref_slice %arg14[%mul3A_59, %dma_start3A_60] : memref<10240x128xf32, #tpu.memory_space<vmem_shared>> -> memref<128x128xf32, #tpu.memory_space<vmem_shared>>
        tpu.enqueue_dma source(%arg4 : memref<128x128xf32, #tpu.memory_space<hbm>>) target(%dma_start3A_61 : memref<128x128xf32, #tpu.memory_space<vmem_shared>>) target_semaphore(%run_scoped3A : memref<!tpu.dma_semaphore, #tpu.memory_space<semaphore_mem>>)
        %dma_wait3A_62 = arith.constant 0 : i32
        %dma_wait3A_63 = tpu.memref_slice %arg14[%mul3A_59, %dma_wait3A_62] : memref<10240x128xf32, #tpu.memory_space<vmem_shared>> -> memref<128x128xf32, #tpu.memory_space<vmem_shared>>
        tpu.wait_dma2 semaphore(%run_scoped3A : memref<!tpu.dma_semaphore, #tpu.memory_space<semaphore_mem>>) src(%arg4 : memref<128x128xf32, #tpu.memory_space<hbm>>) dst(%dma_wait3A_63 : memref<128x128xf32, #tpu.memory_space<vmem_shared>>)
        tpu.yield
      }) : () -> ()
      "tpu.region"() ({
        %run_scoped3A = tpu.sem_alloc : memref<!tpu.dma_semaphore, #tpu.memory_space<semaphore_mem>>
        %dma_start3A_60 = tpu.memref_slice %arg15[%mul3A_59] : memref<10240xf32, #tpu.memory_space<vmem_shared>> -> memref<128xf32, #tpu.memory_space<vmem_shared>>
        tpu.enqueue_dma source(%arg5 : memref<128xf32, #tpu.memory_space<hbm>>) target(%dma_start3A_60 : memref<128xf32, #tpu.memory_space<vmem_shared>>) target_semaphore(%run_scoped3A : memref<!tpu.dma_semaphore, #tpu.memory_space<semaphore_mem>>)
        %dma_wait3A_61 = tpu.memref_slice %arg15[%mul3A_59] : memref<10240xf32, #tpu.memory_space<vmem_shared>> -> memref<128xf32, #tpu.memory_space<vmem_shared>>
        tpu.wait_dma2 semaphore(%run_scoped3A : memref<!tpu.dma_semaphore, #tpu.memory_space<semaphore_mem>>) src(%arg5 : memref<128xf32, #tpu.memory_space<hbm>>) dst(%dma_wait3A_61 : memref<128xf32, #tpu.memory_space<vmem_shared>>)
        tpu.yield
      }) : () -> ()
    }
    %scan3A_5 = arith.constant 5 : i32
    %barrier3A = arith.constant 0 : index
    tpu.barrier barrier_id(%barrier3A)
    %lt3A = arith.constant 4 : i32
    %lt3A_6 = arith.cmpi slt, %add3A, %lt3A : i32
    %jit3A = arith.constant 1 : i32
    %jit3A_7 = arith.constant 0 : i32
    %select_n3A = arith.select %lt3A_6, %jit3A, %jit3A_7 : i32
    %add3A_8 = arith.constant 78 : i32
    %add3A_9 = arith.addi %add3A_8, %select_n3A : i32
    %add3A_10 = arith.constant 0 : i32
    %add3A_11 = arith.addi %add3A_10, %add3A : i32
    %mul3A_12 = arith.constant 128 : i32
    %mul3A_13 = arith.muli %add3A_11, %mul3A_12 : i32
    %dma_start3A = tpu.memref_slice %arg3[%mul3A_13] : memref<320000xi32, #tpu.memory_space<hbm>> -> memref<128xi32, #tpu.memory_space<hbm>>
    %dma_start3A_14 = tpu.memref_slice %arg3[%mul3A_13] : memref<320000xi32, #tpu.memory_space<hbm>> -> memref<128xi32, #tpu.memory_space<hbm>>
    tpu.enqueue_dma source(%dma_start3A_14 : memref<128xi32, #tpu.memory_space<hbm>>) target(%arg11 : memref<128xi32, #tpu.memory_space<vmem>>) target_semaphore(%arg16 : memref<!tpu.dma_semaphore, #tpu.memory_space<semaphore_mem>>)
    %add3A_15 = arith.constant 0 : i32
    %add3A_16 = arith.addi %add3A_15, %add3A : i32
    %mul3A_17 = arith.constant 128 : i32
    %mul3A_18 = arith.muli %add3A_16, %mul3A_17 : i32
    %dma_start3A_19 = arith.constant 0 : i32
    %dma_start3A_20 = tpu.memref_slice %arg2[%mul3A_18, %dma_start3A_19] : memref<320000x128xf32, #tpu.memory_space<hbm>> -> memref<128x128xf32, #tpu.memory_space<hbm>>
    %dma_start3A_21 = arith.constant 0 : i32
    %dma_start3A_22 = tpu.memref_slice %arg2[%mul3A_18, %dma_start3A_21] : memref<320000x128xf32, #tpu.memory_space<hbm>> -> memref<128x128xf32, #tpu.memory_space<hbm>>
    tpu.enqueue_dma source(%dma_start3A_22 : memref<128x128xf32, #tpu.memory_space<hbm>>) target(%arg9 : memref<128x128xf32, #tpu.memory_space<vmem>>) target_semaphore(%arg16 : memref<!tpu.dma_semaphore, #tpu.memory_space<semaphore_mem>>)
    %scan3A_23 = arith.constant 0 : i32
    %scan3A_24 = arith.constant 0 : i32
    %scan3A_25 = arith.constant 39 : i32
    %scan3A_26 = arith.addi %scan3A_24, %scan3A_25 : i32
    %scan3A_27 = arith.constant 1 : i32
    scf.for %scan3A_54 = %scan3A_24 to %scan3A_26 step %scan3A_27  : i32 {
      %mul3A_55 = arith.constant 2 : i32
      %mul3A_56 = arith.muli %mul3A_55, %scan3A_54 : i32
      %add3A_57 = arith.constant 1 : i32
      %add3A_58 = arith.addi %mul3A_56, %add3A_57 : i32
      %mul3A_59 = arith.constant 2 : i32
      %mul3A_60 = arith.muli %mul3A_59, %scan3A_54 : i32
      %add3A_61 = arith.constant 2 : i32
      %add3A_62 = arith.addi %mul3A_60, %add3A_61 : i32
      %sub3A = arith.constant 1 : i32
      %sub3A_63 = arith.subi %add3A_9, %sub3A : i32
      %min3A = arith.minsi %add3A_62, %sub3A_63 : i32
      %mul3A_64 = arith.constant 32 : i32
      %mul3A_65 = arith.muli %add3A_58, %mul3A_64 : i32
      %add3A_66 = arith.addi %mul3A_65, %add3A : i32
      %mul3A_67 = arith.constant 128 : i32
      %mul3A_68 = arith.muli %add3A_66, %mul3A_67 : i32
      %dma_start3A_69 = tpu.memref_slice %arg3[%mul3A_68] : memref<320000xi32, #tpu.memory_space<hbm>> -> memref<128xi32, #tpu.memory_space<hbm>>
      %dma_start3A_70 = tpu.memref_slice %arg3[%mul3A_68] : memref<320000xi32, #tpu.memory_space<hbm>> -> memref<128xi32, #tpu.memory_space<hbm>>
      tpu.enqueue_dma source(%dma_start3A_70 : memref<128xi32, #tpu.memory_space<hbm>>) target(%arg12 : memref<128xi32, #tpu.memory_space<vmem>>) target_semaphore(%arg16 : memref<!tpu.dma_semaphore, #tpu.memory_space<semaphore_mem>>)
      %mul3A_71 = arith.constant 32 : i32
      %mul3A_72 = arith.muli %add3A_58, %mul3A_71 : i32
      %add3A_73 = arith.addi %mul3A_72, %add3A : i32
      %mul3A_74 = arith.constant 128 : i32
      %mul3A_75 = arith.muli %add3A_73, %mul3A_74 : i32
      %dma_start3A_76 = arith.constant 0 : i32
      %dma_start3A_77 = tpu.memref_slice %arg2[%mul3A_75, %dma_start3A_76] : memref<320000x128xf32, #tpu.memory_space<hbm>> -> memref<128x128xf32, #tpu.memory_space<hbm>>
      %dma_start3A_78 = arith.constant 0 : i32
      %dma_start3A_79 = tpu.memref_slice %arg2[%mul3A_75, %dma_start3A_78] : memref<320000x128xf32, #tpu.memory_space<hbm>> -> memref<128x128xf32, #tpu.memory_space<hbm>>
      tpu.enqueue_dma source(%dma_start3A_79 : memref<128x128xf32, #tpu.memory_space<hbm>>) target(%arg10 : memref<128x128xf32, #tpu.memory_space<vmem>>) target_semaphore(%arg16 : memref<!tpu.dma_semaphore, #tpu.memory_space<semaphore_mem>>)
      %dma_wait3A_80 = arith.constant 0 : i32
      %dma_wait3A_81 = tpu.memref_slice %arg3[%dma_wait3A_80] : memref<320000xi32, #tpu.memory_space<hbm>> -> memref<128xi32, #tpu.memory_space<hbm>>
      %dma_wait3A_82 = arith.constant 0 : i32
      %dma_wait3A_83 = tpu.memref_slice %arg3[%dma_wait3A_82] : memref<320000xi32, #tpu.memory_space<hbm>> -> memref<128xi32, #tpu.memory_space<hbm>>
      tpu.wait_dma2 semaphore(%arg16 : memref<!tpu.dma_semaphore, #tpu.memory_space<semaphore_mem>>) src(%dma_wait3A_83 : memref<128xi32, #tpu.memory_space<hbm>>) dst(%arg11 : memref<128xi32, #tpu.memory_space<vmem>>)
      %dma_wait3A_84 = arith.constant 0 : i32
      %dma_wait3A_85 = arith.constant 0 : i32
      %dma_wait3A_86 = tpu.memref_slice %arg2[%dma_wait3A_84, %dma_wait3A_85] : memref<320000x128xf32, #tpu.memory_space<hbm>> -> memref<128x128xf32, #tpu.memory_space<hbm>>
      %dma_wait3A_87 = arith.constant 0 : i32
      %dma_wait3A_88 = arith.constant 0 : i32
      %dma_wait3A_89 = tpu.memref_slice %arg2[%dma_wait3A_87, %dma_wait3A_88] : memref<320000x128xf32, #tpu.memory_space<hbm>> -> memref<128x128xf32, #tpu.memory_space<hbm>>
      tpu.wait_dma2 semaphore(%arg16 : memref<!tpu.dma_semaphore, #tpu.memory_space<semaphore_mem>>) src(%dma_wait3A_89 : memref<128x128xf32, #tpu.memory_space<hbm>>) dst(%arg9 : memref<128x128xf32, #tpu.memory_space<vmem>>)
      "tpu.region"() ({
        %run_scoped3A = tpu.sem_alloc : memref<!tpu.dma_semaphore, #tpu.memory_space<semaphore_mem>>
        %dma_start3A_116 = arith.constant 0 : i32
        %dma_start3A_117 = arith.constant 0 : i32
        %dma_start3A_118 = tpu.memref_slice %arg14[%dma_start3A_116, %dma_start3A_117] : memref<10240x128xf32, #tpu.memory_space<vmem_shared>> -> memref<10240x128xf32, #tpu.memory_space<vmem_shared>>
        tpu.enqueue_indirect_dma source(%arg9 : memref<128x128xf32, #tpu.memory_space<vmem>>) target(%dma_start3A_118 : memref<10240x128xf32, #tpu.memory_space<vmem_shared>>) offsets(%arg11 : memref<128xi32, #tpu.memory_space<vmem>>) semaphore(%run_scoped3A : memref<!tpu.dma_semaphore, #tpu.memory_space<semaphore_mem>>) {add = true}
        %dma_wait3A_119 = arith.constant 0 : i32
        %dma_wait3A_120 = arith.constant 0 : i32
        %dma_wait3A_121 = tpu.memref_slice %arg14[%dma_wait3A_119, %dma_wait3A_120] : memref<10240x128xf32, #tpu.memory_space<vmem_shared>> -> memref<10240x128xf32, #tpu.memory_space<vmem_shared>>
        tpu.wait_indirect_dma semaphore(%run_scoped3A : memref<!tpu.dma_semaphore, #tpu.memory_space<semaphore_mem>>) src(%arg9 : memref<128x128xf32, #tpu.memory_space<vmem>>) dst(%dma_wait3A_121 : memref<10240x128xf32, #tpu.memory_space<vmem_shared>>)
        tpu.yield
      }) : () -> ()
      "tpu.region"() ({
        %run_scoped3A = tpu.sem_alloc : memref<!tpu.dma_semaphore, #tpu.memory_space<semaphore_mem>>
        %dma_start3A_116 = arith.constant 0 : i32
        %dma_start3A_117 = tpu.memref_slice %arg15[%dma_start3A_116] : memref<10240xf32, #tpu.memory_space<vmem_shared>> -> memref<10240xf32, #tpu.memory_space<vmem_shared>>
        tpu.enqueue_indirect_dma source(%arg13 : memref<128xf32, #tpu.memory_space<vmem>>) target(%dma_start3A_117 : memref<10240xf32, #tpu.memory_space<vmem_shared>>) offsets(%arg11 : memref<128xi32, #tpu.memory_space<vmem>>) semaphore(%run_scoped3A : memref<!tpu.dma_semaphore, #tpu.memory_space<semaphore_mem>>) {add = true}
        %dma_wait3A_118 = arith.constant 0 : i32
        %dma_wait3A_119 = tpu.memref_slice %arg15[%dma_wait3A_118] : memref<10240xf32, #tpu.memory_space<vmem_shared>> -> memref<10240xf32, #tpu.memory_space<vmem_shared>>
        tpu.wait_indirect_dma semaphore(%run_scoped3A : memref<!tpu.dma_semaphore, #tpu.memory_space<semaphore_mem>>) src(%arg13 : memref<128xf32, #tpu.memory_space<vmem>>) dst(%dma_wait3A_119 : memref<10240xf32, #tpu.memory_space<vmem_shared>>)
        tpu.yield
      }) : () -> ()
      %mul3A_90 = arith.constant 32 : i32
      %mul3A_91 = arith.muli %min3A, %mul3A_90 : i32
      %add3A_92 = arith.addi %mul3A_91, %add3A : i32
      %mul3A_93 = arith.constant 128 : i32
      %mul3A_94 = arith.muli %add3A_92, %mul3A_93 : i32
      %dma_start3A_95 = tpu.memref_slice %arg3[%mul3A_94] : memref<320000xi32, #tpu.memory_space<hbm>> -> memref<128xi32, #tpu.memory_space<hbm>>
      %dma_start3A_96 = tpu.memref_slice %arg3[%mul3A_94] : memref<320000xi32, #tpu.memory_space<hbm>> -> memref<128xi32, #tpu.memory_space<hbm>>
      tpu.enqueue_dma source(%dma_start3A_96 : memref<128xi32, #tpu.memory_space<hbm>>) target(%arg11 : memref<128xi32, #tpu.memory_space<vmem>>) target_semaphore(%arg16 : memref<!tpu.dma_semaphore, #tpu.memory_space<semaphore_mem>>)
      %mul3A_97 = arith.constant 32 : i32
      %mul3A_98 = arith.muli %min3A, %mul3A_97 : i32
      %add3A_99 = arith.addi %mul3A_98, %add3A : i32
      %mul3A_100 = arith.constant 128 : i32
      %mul3A_101 = arith.muli %add3A_99, %mul3A_100 : i32
      %dma_start3A_102 = arith.constant 0 : i32
      %dma_start3A_103 = tpu.memref_slice %arg2[%mul3A_101, %dma_start3A_102] : memref<320000x128xf32, #tpu.memory_space<hbm>> -> memref<128x128xf32, #tpu.memory_space<hbm>>
      %dma_start3A_104 = arith.constant 0 : i32
      %dma_start3A_105 = tpu.memref_slice %arg2[%mul3A_101, %dma_start3A_104] : memref<320000x128xf32, #tpu.memory_space<hbm>> -> memref<128x128xf32, #tpu.memory_space<hbm>>
      tpu.enqueue_dma source(%dma_start3A_105 : memref<128x128xf32, #tpu.memory_space<hbm>>) target(%arg9 : memref<128x128xf32, #tpu.memory_space<vmem>>) target_semaphore(%arg16 : memref<!tpu.dma_semaphore, #tpu.memory_space<semaphore_mem>>)
      %dma_wait3A_106 = arith.constant 0 : i32
      %dma_wait3A_107 = tpu.memref_slice %arg3[%dma_wait3A_106] : memref<320000xi32, #tpu.memory_space<hbm>> -> memref<128xi32, #tpu.memory_space<hbm>>
      %dma_wait3A_108 = arith.constant 0 : i32
      %dma_wait3A_109 = tpu.memref_slice %arg3[%dma_wait3A_108] : memref<320000xi32, #tpu.memory_space<hbm>> -> memref<128xi32, #tpu.memory_space<hbm>>
      tpu.wait_dma2 semaphore(%arg16 : memref<!tpu.dma_semaphore, #tpu.memory_space<semaphore_mem>>) src(%dma_wait3A_109 : memref<128xi32, #tpu.memory_space<hbm>>) dst(%arg12 : memref<128xi32, #tpu.memory_space<vmem>>)
      %dma_wait3A_110 = arith.constant 0 : i32
      %dma_wait3A_111 = arith.constant 0 : i32
      %dma_wait3A_112 = tpu.memref_slice %arg2[%dma_wait3A_110, %dma_wait3A_111] : memref<320000x128xf32, #tpu.memory_space<hbm>> -> memref<128x128xf32, #tpu.memory_space<hbm>>
      %dma_wait3A_113 = arith.constant 0 : i32
      %dma_wait3A_114 = arith.constant 0 : i32
      %dma_wait3A_115 = tpu.memref_slice %arg2[%dma_wait3A_113, %dma_wait3A_114] : memref<320000x128xf32, #tpu.memory_space<hbm>> -> memref<128x128xf32, #tpu.memory_space<hbm>>
      tpu.wait_dma2 semaphore(%arg16 : memref<!tpu.dma_semaphore, #tpu.memory_space<semaphore_mem>>) src(%dma_wait3A_115 : memref<128x128xf32, #tpu.memory_space<hbm>>) dst(%arg10 : memref<128x128xf32, #tpu.memory_space<vmem>>)
      "tpu.region"() ({
        %run_scoped3A = tpu.sem_alloc : memref<!tpu.dma_semaphore, #tpu.memory_space<semaphore_mem>>
        %dma_start3A_116 = arith.constant 0 : i32
        %dma_start3A_117 = arith.constant 0 : i32
        %dma_start3A_118 = tpu.memref_slice %arg14[%dma_start3A_116, %dma_start3A_117] : memref<10240x128xf32, #tpu.memory_space<vmem_shared>> -> memref<10240x128xf32, #tpu.memory_space<vmem_shared>>
        tpu.enqueue_indirect_dma source(%arg10 : memref<128x128xf32, #tpu.memory_space<vmem>>) target(%dma_start3A_118 : memref<10240x128xf32, #tpu.memory_space<vmem_shared>>) offsets(%arg12 : memref<128xi32, #tpu.memory_space<vmem>>) semaphore(%run_scoped3A : memref<!tpu.dma_semaphore, #tpu.memory_space<semaphore_mem>>) {add = true}
        %dma_wait3A_119 = arith.constant 0 : i32
        %dma_wait3A_120 = arith.constant 0 : i32
        %dma_wait3A_121 = tpu.memref_slice %arg14[%dma_wait3A_119, %dma_wait3A_120] : memref<10240x128xf32, #tpu.memory_space<vmem_shared>> -> memref<10240x128xf32, #tpu.memory_space<vmem_shared>>
        tpu.wait_indirect_dma semaphore(%run_scoped3A : memref<!tpu.dma_semaphore, #tpu.memory_space<semaphore_mem>>) src(%arg10 : memref<128x128xf32, #tpu.memory_space<vmem>>) dst(%dma_wait3A_121 : memref<10240x128xf32, #tpu.memory_space<vmem_shared>>)
        tpu.yield
      }) : () -> ()
      "tpu.region"() ({
        %run_scoped3A = tpu.sem_alloc : memref<!tpu.dma_semaphore, #tpu.memory_space<semaphore_mem>>
        %dma_start3A_116 = arith.constant 0 : i32
        %dma_start3A_117 = tpu.memref_slice %arg15[%dma_start3A_116] : memref<10240xf32, #tpu.memory_space<vmem_shared>> -> memref<10240xf32, #tpu.memory_space<vmem_shared>>
        tpu.enqueue_indirect_dma source(%arg13 : memref<128xf32, #tpu.memory_space<vmem>>) target(%dma_start3A_117 : memref<10240xf32, #tpu.memory_space<vmem_shared>>) offsets(%arg12 : memref<128xi32, #tpu.memory_space<vmem>>) semaphore(%run_scoped3A : memref<!tpu.dma_semaphore, #tpu.memory_space<semaphore_mem>>) {add = true}
        %dma_wait3A_118 = arith.constant 0 : i32
        %dma_wait3A_119 = tpu.memref_slice %arg15[%dma_wait3A_118] : memref<10240xf32, #tpu.memory_space<vmem_shared>> -> memref<10240xf32, #tpu.memory_space<vmem_shared>>
        tpu.wait_indirect_dma semaphore(%run_scoped3A : memref<!tpu.dma_semaphore, #tpu.memory_space<semaphore_mem>>) src(%arg13 : memref<128xf32, #tpu.memory_space<vmem>>) dst(%dma_wait3A_119 : memref<10240xf32, #tpu.memory_space<vmem_shared>>)
        tpu.yield
      }) : () -> ()
    }
    %scan3A_28 = arith.constant 39 : i32
    %dma_wait3A = arith.constant 0 : i32
    %dma_wait3A_29 = tpu.memref_slice %arg3[%dma_wait3A] : memref<320000xi32, #tpu.memory_space<hbm>> -> memref<128xi32, #tpu.memory_space<hbm>>
    %dma_wait3A_30 = arith.constant 0 : i32
    %dma_wait3A_31 = tpu.memref_slice %arg3[%dma_wait3A_30] : memref<320000xi32, #tpu.memory_space<hbm>> -> memref<128xi32, #tpu.memory_space<hbm>>
    tpu.wait_dma2 semaphore(%arg16 : memref<!tpu.dma_semaphore, #tpu.memory_space<semaphore_mem>>) src(%dma_wait3A_31 : memref<128xi32, #tpu.memory_space<hbm>>) dst(%arg11 : memref<128xi32, #tpu.memory_space<vmem>>)
    %dma_wait3A_32 = arith.constant 0 : i32
    %dma_wait3A_33 = arith.constant 0 : i32
    %dma_wait3A_34 = tpu.memref_slice %arg2[%dma_wait3A_32, %dma_wait3A_33] : memref<320000x128xf32, #tpu.memory_space<hbm>> -> memref<128x128xf32, #tpu.memory_space<hbm>>
    %dma_wait3A_35 = arith.constant 0 : i32
    %dma_wait3A_36 = arith.constant 0 : i32
    %dma_wait3A_37 = tpu.memref_slice %arg2[%dma_wait3A_35, %dma_wait3A_36] : memref<320000x128xf32, #tpu.memory_space<hbm>> -> memref<128x128xf32, #tpu.memory_space<hbm>>
    tpu.wait_dma2 semaphore(%arg16 : memref<!tpu.dma_semaphore, #tpu.memory_space<semaphore_mem>>) src(%dma_wait3A_37 : memref<128x128xf32, #tpu.memory_space<hbm>>) dst(%arg9 : memref<128x128xf32, #tpu.memory_space<vmem>>)
    %while3A = arith.constant 0 : i32
    %while3A_38 = arith.constant 0 : i32
    %while3A_39 = arith.subi %select_n3A, %while3A_38 : i32
    %while3A_40 = arith.addi %while3A_38, %while3A_39 : i32
    %while3A_41 = arith.constant 1 : i32
    %while3A_42 = arith.divsi %while3A_39, %while3A_41 : i32
    %while3A_43 = arith.muli %while3A_42, %while3A_41 : i32
    %while3A_44 = arith.addi %while3A_38, %while3A_43 : i32
    %while3A_45 = arith.constant 1 : i32
    scf.for %while3A_54 = %while3A_38 to %while3A_44 step %while3A_45  : i32 {
      "tpu.region"() ({
        %run_scoped3A = tpu.sem_alloc : memref<!tpu.dma_semaphore, #tpu.memory_space<semaphore_mem>>
        %dma_start3A_55 = arith.constant 0 : i32
        %dma_start3A_56 = arith.constant 0 : i32
        %dma_start3A_57 = tpu.memref_slice %arg14[%dma_start3A_55, %dma_start3A_56] : memref<10240x128xf32, #tpu.memory_space<vmem_shared>> -> memref<10240x128xf32, #tpu.memory_space<vmem_shared>>
        tpu.enqueue_indirect_dma source(%arg9 : memref<128x128xf32, #tpu.memory_space<vmem>>) target(%dma_start3A_57 : memref<10240x128xf32, #tpu.memory_space<vmem_shared>>) offsets(%arg11 : memref<128xi32, #tpu.memory_space<vmem>>) semaphore(%run_scoped3A : memref<!tpu.dma_semaphore, #tpu.memory_space<semaphore_mem>>) {add = true}
        %dma_wait3A_58 = arith.constant 0 : i32
        %dma_wait3A_59 = arith.constant 0 : i32
        %dma_wait3A_60 = tpu.memref_slice %arg14[%dma_wait3A_58, %dma_wait3A_59] : memref<10240x128xf32, #tpu.memory_space<vmem_shared>> -> memref<10240x128xf32, #tpu.memory_space<vmem_shared>>
        tpu.wait_indirect_dma semaphore(%run_scoped3A : memref<!tpu.dma_semaphore, #tpu.memory_space<semaphore_mem>>) src(%arg9 : memref<128x128xf32, #tpu.memory_space<vmem>>) dst(%dma_wait3A_60 : memref<10240x128xf32, #tpu.memory_space<vmem_shared>>)
        tpu.yield
      }) : () -> ()
      "tpu.region"() ({
        %run_scoped3A = tpu.sem_alloc : memref<!tpu.dma_semaphore, #tpu.memory_space<semaphore_mem>>
        %dma_start3A_55 = arith.constant 0 : i32
        %dma_start3A_56 = tpu.memref_slice %arg15[%dma_start3A_55] : memref<10240xf32, #tpu.memory_space<vmem_shared>> -> memref<10240xf32, #tpu.memory_space<vmem_shared>>
        tpu.enqueue_indirect_dma source(%arg13 : memref<128xf32, #tpu.memory_space<vmem>>) target(%dma_start3A_56 : memref<10240xf32, #tpu.memory_space<vmem_shared>>) offsets(%arg11 : memref<128xi32, #tpu.memory_space<vmem>>) semaphore(%run_scoped3A : memref<!tpu.dma_semaphore, #tpu.memory_space<semaphore_mem>>) {add = true}
        %dma_wait3A_57 = arith.constant 0 : i32
        %dma_wait3A_58 = tpu.memref_slice %arg15[%dma_wait3A_57] : memref<10240xf32, #tpu.memory_space<vmem_shared>> -> memref<10240xf32, #tpu.memory_space<vmem_shared>>
        tpu.wait_indirect_dma semaphore(%run_scoped3A : memref<!tpu.dma_semaphore, #tpu.memory_space<semaphore_mem>>) src(%arg13 : memref<128xf32, #tpu.memory_space<vmem>>) dst(%dma_wait3A_58 : memref<10240xf32, #tpu.memory_space<vmem_shared>>)
        tpu.yield
      }) : () -> ()
    }
    %while3A_46 = arith.constant 1 : i32
    scf.for %while3A_54 = %while3A_44 to %while3A_40 step %while3A_46  : i32 {
      "tpu.region"() ({
        %run_scoped3A = tpu.sem_alloc : memref<!tpu.dma_semaphore, #tpu.memory_space<semaphore_mem>>
        %dma_start3A_55 = arith.constant 0 : i32
        %dma_start3A_56 = arith.constant 0 : i32
        %dma_start3A_57 = tpu.memref_slice %arg14[%dma_start3A_55, %dma_start3A_56] : memref<10240x128xf32, #tpu.memory_space<vmem_shared>> -> memref<10240x128xf32, #tpu.memory_space<vmem_shared>>
        tpu.enqueue_indirect_dma source(%arg9 : memref<128x128xf32, #tpu.memory_space<vmem>>) target(%dma_start3A_57 : memref<10240x128xf32, #tpu.memory_space<vmem_shared>>) offsets(%arg11 : memref<128xi32, #tpu.memory_space<vmem>>) semaphore(%run_scoped3A : memref<!tpu.dma_semaphore, #tpu.memory_space<semaphore_mem>>) {add = true}
        %dma_wait3A_58 = arith.constant 0 : i32
        %dma_wait3A_59 = arith.constant 0 : i32
        %dma_wait3A_60 = tpu.memref_slice %arg14[%dma_wait3A_58, %dma_wait3A_59] : memref<10240x128xf32, #tpu.memory_space<vmem_shared>> -> memref<10240x128xf32, #tpu.memory_space<vmem_shared>>
        tpu.wait_indirect_dma semaphore(%run_scoped3A : memref<!tpu.dma_semaphore, #tpu.memory_space<semaphore_mem>>) src(%arg9 : memref<128x128xf32, #tpu.memory_space<vmem>>) dst(%dma_wait3A_60 : memref<10240x128xf32, #tpu.memory_space<vmem_shared>>)
        tpu.yield
      }) : () -> ()
      "tpu.region"() ({
        %run_scoped3A = tpu.sem_alloc : memref<!tpu.dma_semaphore, #tpu.memory_space<semaphore_mem>>
        %dma_start3A_55 = arith.constant 0 : i32
        %dma_start3A_56 = tpu.memref_slice %arg15[%dma_start3A_55] : memref<10240xf32, #tpu.memory_space<vmem_shared>> -> memref<10240xf32, #tpu.memory_space<vmem_shared>>
        tpu.enqueue_indirect_dma source(%arg13 : memref<128xf32, #tpu.memory_space<vmem>>) target(%dma_start3A_56 : memref<10240xf32, #tpu.memory_space<vmem_shared>>) offsets(%arg11 : memref<128xi32, #tpu.memory_space<vmem>>) semaphore(%run_scoped3A : memref<!tpu.dma_semaphore, #tpu.memory_space<semaphore_mem>>) {add = true}
        %dma_wait3A_57 = arith.constant 0 : i32
        %dma_wait3A_58 = tpu.memref_slice %arg15[%dma_wait3A_57] : memref<10240xf32, #tpu.memory_space<vmem_shared>> -> memref<10240xf32, #tpu.memory_space<vmem_shared>>
        tpu.wait_indirect_dma semaphore(%run_scoped3A : memref<!tpu.dma_semaphore, #tpu.memory_space<semaphore_mem>>) src(%arg13 : memref<128xf32, #tpu.memory_space<vmem>>) dst(%dma_wait3A_58 : memref<10240xf32, #tpu.memory_space<vmem_shared>>)
        tpu.yield
      }) : () -> ()
    }
    %barrier3A_47 = arith.constant 0 : index
    tpu.barrier barrier_id(%barrier3A_47)
    %scan3A_48 = arith.constant 0 : i32
    %scan3A_49 = arith.constant 0 : i32
    %scan3A_50 = arith.constant 5 : i32
    %scan3A_51 = arith.addi %scan3A_49, %scan3A_50 : i32
    %scan3A_52 = arith.constant 1 : i32
    scf.for %scan3A_54 = %scan3A_49 to %scan3A_51 step %scan3A_52  : i32 {
      %mul3A_55 = arith.constant 16 : i32
      %mul3A_56 = arith.muli %scan3A_54, %mul3A_55 : i32
      %add3A_57 = arith.addi %mul3A_56, %arg1 : i32
      %mul3A_58 = arith.constant 128 : i32
      %mul3A_59 = arith.muli %add3A_57, %mul3A_58 : i32
      "tpu.region"() ({
        %run_scoped3A = tpu.sem_alloc : memref<!tpu.dma_semaphore, #tpu.memory_space<semaphore_mem>>
        %dma_start3A_63 = arith.constant 0 : i32
        %dma_start3A_64 = tpu.memref_slice %arg7[%arg0, %mul3A_59, %dma_start3A_63] : memref<2x10240x128xf32, #tpu.memory_space<hbm>> -> memref<1x128x128xf32, #tpu.memory_space<hbm>>
        %dma_start3A_65 = tpu.memref_squeeze %dma_start3A_64 : memref<1x128x128xf32, #tpu.memory_space<hbm>> -> memref<128x128xf32, #tpu.memory_space<hbm>>
        %dma_start3A_66 = arith.constant 0 : i32
        %dma_start3A_67 = tpu.memref_slice %arg14[%mul3A_59, %dma_start3A_66] : memref<10240x128xf32, #tpu.memory_space<vmem_shared>> -> memref<128x128xf32, #tpu.memory_space<vmem_shared>>
        tpu.enqueue_dma source(%dma_start3A_67 : memref<128x128xf32, #tpu.memory_space<vmem_shared>>) target(%dma_start3A_65 : memref<128x128xf32, #tpu.memory_space<hbm>>) target_semaphore(%run_scoped3A : memref<!tpu.dma_semaphore, #tpu.memory_space<semaphore_mem>>)
        %dma_wait3A_68 = arith.constant 0 : i32
        %dma_wait3A_69 = tpu.memref_slice %arg7[%arg0, %mul3A_59, %dma_wait3A_68] : memref<2x10240x128xf32, #tpu.memory_space<hbm>> -> memref<1x128x128xf32, #tpu.memory_space<hbm>>
        %dma_wait3A_70 = tpu.memref_squeeze %dma_wait3A_69 : memref<1x128x128xf32, #tpu.memory_space<hbm>> -> memref<128x128xf32, #tpu.memory_space<hbm>>
        %dma_wait3A_71 = arith.constant 0 : i32
        %dma_wait3A_72 = tpu.memref_slice %arg14[%mul3A_59, %dma_wait3A_71] : memref<10240x128xf32, #tpu.memory_space<vmem_shared>> -> memref<128x128xf32, #tpu.memory_space<vmem_shared>>
        tpu.wait_dma2 semaphore(%run_scoped3A : memref<!tpu.dma_semaphore, #tpu.memory_space<semaphore_mem>>) src(%dma_wait3A_72 : memref<128x128xf32, #tpu.memory_space<vmem_shared>>) dst(%dma_wait3A_70 : memref<128x128xf32, #tpu.memory_space<hbm>>)
        tpu.yield
      }) : () -> ()
      %mul3A_60 = arith.constant 10240 : i32
      %mul3A_61 = arith.muli %arg0, %mul3A_60 : i32
      %add3A_62 = arith.addi %mul3A_61, %mul3A_59 : i32
      "tpu.region"() ({
        %run_scoped3A = tpu.sem_alloc : memref<!tpu.dma_semaphore, #tpu.memory_space<semaphore_mem>>
        %dma_start3A_63 = tpu.memref_slice %arg8[%add3A_62] : memref<20480xf32, #tpu.memory_space<hbm>> -> memref<128xf32, #tpu.memory_space<hbm>>
        %dma_start3A_64 = tpu.memref_slice %arg15[%mul3A_59] : memref<10240xf32, #tpu.memory_space<vmem_shared>> -> memref<128xf32, #tpu.memory_space<vmem_shared>>
        tpu.enqueue_dma source(%dma_start3A_64 : memref<128xf32, #tpu.memory_space<vmem_shared>>) target(%dma_start3A_63 : memref<128xf32, #tpu.memory_space<hbm>>) target_semaphore(%run_scoped3A : memref<!tpu.dma_semaphore, #tpu.memory_space<semaphore_mem>>)
        %dma_wait3A_65 = tpu.memref_slice %arg8[%add3A_62] : memref<20480xf32, #tpu.memory_space<hbm>> -> memref<128xf32, #tpu.memory_space<hbm>>
        %dma_wait3A_66 = tpu.memref_slice %arg15[%mul3A_59] : memref<10240xf32, #tpu.memory_space<vmem_shared>> -> memref<128xf32, #tpu.memory_space<vmem_shared>>
        tpu.wait_dma2 semaphore(%run_scoped3A : memref<!tpu.dma_semaphore, #tpu.memory_space<semaphore_mem>>) src(%dma_wait3A_66 : memref<128xf32, #tpu.memory_space<vmem_shared>>) dst(%dma_wait3A_65 : memref<128xf32, #tpu.memory_space<hbm>>)
        tpu.yield
      }) : () -> ()
    }
    %scan3A_53 = arith.constant 5 : i32
    return
  }
}

module attributes {stable_mosaic.version = 14 : i64} {
  func.func @_prep_body(%arg0: i32, %arg1: memref<1000x128xf32, #tpu.memory_space<vmem>>, %arg2: memref<128xf32, #tpu.memory_space<vmem>>, %arg3: memref<128xf32, #tpu.memory_space<vmem>>, %arg4: memref<128x128xf32, #tpu.memory_space<vmem>>, %arg5: memref<128x128xf32, #tpu.memory_space<vmem>>, %arg6: memref<1000x128xf32, #tpu.memory_space<vmem>>, %arg7: memref<1000x128xf32, #tpu.memory_space<vmem>>) attributes {dimension_semantics = [#tpu.dimension_semantics<arbitrary>], iteration_bounds = array<i64: 10>, scalar_prefetch = 0 : i64, scratch_operands = 0 : i64, tpu.core_type = #tpu.core_type<tc>, window_params = [{transform_indices = @transform_0, window_bounds = array<i64: 1000, 128>}, {pipeline_mode = #tpu.pipeline_mode<synchronous>, transform_indices = @transform_1, window_bounds = array<i64: 128>}, {pipeline_mode = #tpu.pipeline_mode<synchronous>, transform_indices = @transform_2, window_bounds = array<i64: 128>}, {pipeline_mode = #tpu.pipeline_mode<synchronous>, transform_indices = @transform_3, window_bounds = array<i64: 128, 128>}, {pipeline_mode = #tpu.pipeline_mode<synchronous>, transform_indices = @transform_4, window_bounds = array<i64: 128, 128>}, {transform_indices = @transform_5, window_bounds = array<i64: 1000, 128>}, {transform_indices = @transform_6, window_bounds = array<i64: 1000, 128>}]} {
    %get3A = arith.constant 0 : index
    %get3A_0 = arith.constant 0 : index
    %get3A_1 = vector.load %arg1[%get3A, %get3A_0] : memref<1000x128xf32, #tpu.memory_space<vmem>>, vector<1000x128xf32>
    %reduce_sum3A = arith.constant dense<0.000000e+00> : vector<1000xf32>
    %reduce_sum3A_2 = vector.multi_reduction <add>, %get3A_1, %reduce_sum3A [1] : vector<1000x128xf32> to vector<1000xf32>
    %broadcast_in_dim3A = vector.shape_cast %reduce_sum3A_2 : vector<1000xf32> to vector<1000x1xf32>
    %div3A = arith.constant 1.280000e+02 : f32
    %div3A_3 = vector.broadcast %div3A : f32 to vector<1000x1xf32>
    %div3A_4 = arith.divf %broadcast_in_dim3A, %div3A_3 : vector<1000x1xf32>
    %sub3A = vector.broadcast %div3A_4 : vector<1000x1xf32> to vector<1000x128xf32>
    %sub3A_5 = arith.subf %get3A_1, %sub3A : vector<1000x128xf32>
    %integer_pow3A = arith.mulf %sub3A_5, %sub3A_5 : vector<1000x128xf32>
    %reduce_sum3A_6 = arith.constant dense<0.000000e+00> : vector<1000xf32>
    %reduce_sum3A_7 = vector.multi_reduction <add>, %integer_pow3A, %reduce_sum3A_6 [1] : vector<1000x128xf32> to vector<1000xf32>
    %broadcast_in_dim3A_8 = vector.shape_cast %reduce_sum3A_7 : vector<1000xf32> to vector<1000x1xf32>
    %div3A_9 = arith.constant 1.280000e+02 : f32
    %div3A_10 = vector.broadcast %div3A_9 : f32 to vector<1000x1xf32>
    %div3A_11 = arith.divf %broadcast_in_dim3A_8, %div3A_10 : vector<1000x1xf32>
    %sub3A_12 = vector.broadcast %div3A_4 : vector<1000x1xf32> to vector<1000x128xf32>
    %sub3A_13 = arith.subf %get3A_1, %sub3A_12 : vector<1000x128xf32>
    %add3A = arith.constant 9.99999974E-6 : f32
    %add3A_14 = vector.broadcast %add3A : f32 to vector<1000x1xf32>
    %add3A_15 = arith.addf %div3A_11, %add3A_14 : vector<1000x1xf32>
    %rsqrt3A = math.rsqrt %add3A_15 : vector<1000x1xf32>
    %mul3A = vector.broadcast %rsqrt3A : vector<1000x1xf32> to vector<1000x128xf32>
    %mul3A_16 = arith.mulf %sub3A_13, %mul3A : vector<1000x128xf32>
    %get3A_17 = arith.constant 0 : index
    %get3A_18 = vector.load %arg2[%get3A_17] : memref<128xf32, #tpu.memory_space<vmem>>, vector<128xf32>
    %broadcast_in_dim3A_19 = vector.shape_cast %get3A_18 : vector<128xf32> to vector<1x128xf32>
    %mul3A_20 = vector.broadcast %broadcast_in_dim3A_19 : vector<1x128xf32> to vector<1000x128xf32>
    %mul3A_21 = arith.mulf %mul3A_16, %mul3A_20 : vector<1000x128xf32>
    %get3A_22 = arith.constant 0 : index
    %get3A_23 = vector.load %arg3[%get3A_22] : memref<128xf32, #tpu.memory_space<vmem>>, vector<128xf32>
    %broadcast_in_dim3A_24 = vector.shape_cast %get3A_23 : vector<128xf32> to vector<1x128xf32>
    %add3A_25 = vector.broadcast %broadcast_in_dim3A_24 : vector<1x128xf32> to vector<1000x128xf32>
    %add3A_26 = arith.addf %mul3A_21, %add3A_25 : vector<1000x128xf32>
    %get3A_27 = arith.constant 0 : index
    %get3A_28 = arith.constant 0 : index
    %get3A_29 = vector.load %arg4[%get3A_27, %get3A_28] : memref<128x128xf32, #tpu.memory_space<vmem>>, vector<128x128xf32>
    %dot_general3A = arith.constant dense<0.000000e+00> : vector<1000x128xf32>
    %dot_general3A_30 = tpu.matmul %add3A_26, %get3A_29, %dot_general3A {dimension_numbers = #tpu.dot_dimension_numbers<[1], [0], [0], [1], [0, 0, 1, 1], [], []>, transpose_lhs_hint = false} : vector<1000x128xf32>, vector<128x128xf32>, vector<1000x128xf32> -> vector<1000x128xf32>
    %swap3A = arith.constant 0 : index
    %swap3A_31 = arith.constant 0 : index
    %swap3A_32 = vector.load %arg6[%swap3A, %swap3A_31] : memref<1000x128xf32, #tpu.memory_space<vmem>>, vector<1000x128xf32>
    tpu.vector_store %arg6[%swap3A, %swap3A_31], %dot_general3A_30 {strides = array<i32>} : memref<1000x128xf32, #tpu.memory_space<vmem>>, vector<1000x128xf32>,
    %get3A_33 = arith.constant 0 : index
    %get3A_34 = arith.constant 0 : index
    %get3A_35 = vector.load %arg5[%get3A_33, %get3A_34] : memref<128x128xf32, #tpu.memory_space<vmem>>, vector<128x128xf32>
    %dot_general3A_36 = arith.constant dense<0.000000e+00> : vector<1000x128xf32>
    %dot_general3A_37 = tpu.matmul %add3A_26, %get3A_35, %dot_general3A_36 {dimension_numbers = #tpu.dot_dimension_numbers<[1], [0], [0], [1], [0, 0, 1, 1], [], []>, transpose_lhs_hint = false} : vector<1000x128xf32>, vector<128x128xf32>, vector<1000x128xf32> -> vector<1000x128xf32>
    %swap3A_38 = arith.constant 0 : index
    %swap3A_39 = arith.constant 0 : index
    %swap3A_40 = vector.load %arg7[%swap3A_38, %swap3A_39] : memref<1000x128xf32, #tpu.memory_space<vmem>>, vector<1000x128xf32>
    tpu.vector_store %arg7[%swap3A_38, %swap3A_39], %dot_general3A_37 {strides = array<i32>} : memref<1000x128xf32, #tpu.memory_space<vmem>>, vector<1000x128xf32>,
    return
  }
  func.func @transform_0(%arg0: i32) -> (i32, i32) {
    %c0_i32 = arith.constant 0 : i32
    %c0_i32_0 = arith.constant 0 : i32
    return %arg0, %c0_i32 : i32, i32
  }
  func.func @transform_1(%arg0: i32) -> i32 {
    %c0_i32 = arith.constant 0 : i32
    %c0_i32_0 = arith.constant 0 : i32
    return %c0_i32 : i32
  }
  func.func @transform_2(%arg0: i32) -> i32 {
    %c0_i32 = arith.constant 0 : i32
    %c0_i32_0 = arith.constant 0 : i32
    return %c0_i32 : i32
  }
  func.func @transform_3(%arg0: i32) -> (i32, i32) {
    %c0_i32 = arith.constant 0 : i32
    %c0_i32_0 = arith.constant 0 : i32
    %c0_i32_1 = arith.constant 0 : i32
    return %c0_i32, %c0_i32_0 : i32, i32
  }
  func.func @transform_4(%arg0: i32) -> (i32, i32) {
    %c0_i32 = arith.constant 0 : i32
    %c0_i32_0 = arith.constant 0 : i32
    %c0_i32_1 = arith.constant 0 : i32
    return %c0_i32, %c0_i32_0 : i32, i32
  }
  func.func @transform_5(%arg0: i32) -> (i32, i32) {
    %c0_i32 = arith.constant 0 : i32
    %c0_i32_0 = arith.constant 0 : i32
    return %arg0, %c0_i32 : i32, i32
  }
  func.func @transform_6(%arg0: i32) -> (i32, i32) {
    %c0_i32 = arith.constant 0 : i32
    %c0_i32_0 = arith.constant 0 : i32
    return %arg0, %c0_i32 : i32, i32
  }
}

module attributes {stable_mosaic.version = 14 : i64} {
  func.func @_edge_body(%arg0: i32, %arg1: memref<2000x128xf32, #tpu.memory_space<vmem>>, %arg2: memref<2000x128xf32, #tpu.memory_space<vmem>>, %arg3: memref<2000x16xf32, #tpu.memory_space<vmem>>, %arg4: memref<16x128xf32, #tpu.memory_space<vmem>>, %arg5: memref<128xf32, #tpu.memory_space<vmem>>, %arg6: memref<128x128xf32, #tpu.memory_space<vmem>>, %arg7: memref<128xf32, #tpu.memory_space<vmem>>, %arg8: memref<2000x128xf32, #tpu.memory_space<vmem>>) attributes {dimension_semantics = [#tpu.dimension_semantics<arbitrary>], iteration_bounds = array<i64: 160>, scalar_prefetch = 0 : i64, scratch_operands = 0 : i64, tpu.core_type = #tpu.core_type<tc>, window_params = [{transform_indices = @transform_0, window_bounds = array<i64: 2000, 128>}, {transform_indices = @transform_1, window_bounds = array<i64: 2000, 128>}, {transform_indices = @transform_2, window_bounds = array<i64: 2000, 16>}, {pipeline_mode = #tpu.pipeline_mode<synchronous>, transform_indices = @transform_3, window_bounds = array<i64: 16, 128>}, {pipeline_mode = #tpu.pipeline_mode<synchronous>, transform_indices = @transform_4, window_bounds = array<i64: 128>}, {pipeline_mode = #tpu.pipeline_mode<synchronous>, transform_indices = @transform_5, window_bounds = array<i64: 128, 128>}, {pipeline_mode = #tpu.pipeline_mode<synchronous>, transform_indices = @transform_6, window_bounds = array<i64: 128>}, {transform_indices = @transform_7, window_bounds = array<i64: 2000, 128>}]} {
    %get3A = arith.constant 0 : index
    %get3A_0 = arith.constant 0 : index
    %get3A_1 = vector.load %arg1[%get3A, %get3A_0] : memref<2000x128xf32, #tpu.memory_space<vmem>>, vector<2000x128xf32>
    %get3A_2 = arith.constant 0 : index
    %get3A_3 = arith.constant 0 : index
    %get3A_4 = vector.load %arg2[%get3A_2, %get3A_3] : memref<2000x128xf32, #tpu.memory_space<vmem>>, vector<2000x128xf32>
    %add3A = arith.addf %get3A_1, %get3A_4 : vector<2000x128xf32>
    %get3A_5 = arith.constant 0 : index
    %get3A_6 = arith.constant 0 : index
    %get3A_7 = vector.load %arg3[%get3A_5, %get3A_6] : memref<2000x16xf32, #tpu.memory_space<vmem>>, vector<2000x16xf32>
    %get3A_8 = arith.constant 0 : index
    %get3A_9 = arith.constant 0 : index
    %get3A_10 = vector.load %arg4[%get3A_8, %get3A_9] : memref<16x128xf32, #tpu.memory_space<vmem>>, vector<16x128xf32>
    %dot_general3A = arith.constant dense<0.000000e+00> : vector<2000x128xf32>
    %dot_general3A_11 = tpu.matmul %get3A_7, %get3A_10, %dot_general3A {dimension_numbers = #tpu.dot_dimension_numbers<[1], [0], [0], [1], [0, 0, 1, 1], [], []>, transpose_lhs_hint = false} : vector<2000x16xf32>, vector<16x128xf32>, vector<2000x128xf32> -> vector<2000x128xf32>
    %add3A_12 = arith.addf %add3A, %dot_general3A_11 : vector<2000x128xf32>
    %get3A_13 = arith.constant 0 : index
    %get3A_14 = vector.load %arg5[%get3A_13] : memref<128xf32, #tpu.memory_space<vmem>>, vector<128xf32>
    %broadcast_in_dim3A = vector.shape_cast %get3A_14 : vector<128xf32> to vector<1x128xf32>
    %add3A_15 = vector.broadcast %broadcast_in_dim3A : vector<1x128xf32> to vector<2000x128xf32>
    %add3A_16 = arith.addf %add3A_12, %add3A_15 : vector<2000x128xf32>
    %logistic3A = arith.negf %add3A_16 : vector<2000x128xf32>
    %logistic3A_17 = math.exp %logistic3A : vector<2000x128xf32>
    %logistic3A_18 = arith.constant 1.000000e+00 : f32
    %logistic3A_19 = vector.broadcast %logistic3A_18 : f32 to vector<2000x128xf32>
    %logistic3A_20 = arith.addf %logistic3A_19, %logistic3A_17 : vector<2000x128xf32>
    %logistic3A_21 = arith.divf %logistic3A_19, %logistic3A_20 : vector<2000x128xf32>
    %mul3A = arith.mulf %add3A_16, %logistic3A_21 : vector<2000x128xf32>
    %get3A_22 = arith.constant 0 : index
    %get3A_23 = arith.constant 0 : index
    %get3A_24 = vector.load %arg6[%get3A_22, %get3A_23] : memref<128x128xf32, #tpu.memory_space<vmem>>, vector<128x128xf32>
    %dot_general3A_25 = arith.constant dense<0.000000e+00> : vector<2000x128xf32>
    %dot_general3A_26 = tpu.matmul %mul3A, %get3A_24, %dot_general3A_25 {dimension_numbers = #tpu.dot_dimension_numbers<[1], [0], [0], [1], [0, 0, 1, 1], [], []>, transpose_lhs_hint = false} : vector<2000x128xf32>, vector<128x128xf32>, vector<2000x128xf32> -> vector<2000x128xf32>
    %get3A_27 = arith.constant 0 : index
    %get3A_28 = vector.load %arg7[%get3A_27] : memref<128xf32, #tpu.memory_space<vmem>>, vector<128xf32>
    %broadcast_in_dim3A_29 = vector.shape_cast %get3A_28 : vector<128xf32> to vector<1x128xf32>
    %add3A_30 = vector.broadcast %broadcast_in_dim3A_29 : vector<1x128xf32> to vector<2000x128xf32>
    %add3A_31 = arith.addf %dot_general3A_26, %add3A_30 : vector<2000x128xf32>
    %logistic3A_32 = arith.negf %add3A_31 : vector<2000x128xf32>
    %logistic3A_33 = math.exp %logistic3A_32 : vector<2000x128xf32>
    %logistic3A_34 = arith.constant 1.000000e+00 : f32
    %logistic3A_35 = vector.broadcast %logistic3A_34 : f32 to vector<2000x128xf32>
    %logistic3A_36 = arith.addf %logistic3A_35, %logistic3A_33 : vector<2000x128xf32>
    %logistic3A_37 = arith.divf %logistic3A_35, %logistic3A_36 : vector<2000x128xf32>
    %mul3A_38 = arith.mulf %add3A_31, %logistic3A_37 : vector<2000x128xf32>
    %swap3A = arith.constant 0 : index
    %swap3A_39 = arith.constant 0 : index
    %swap3A_40 = vector.load %arg8[%swap3A, %swap3A_39] : memref<2000x128xf32, #tpu.memory_space<vmem>>, vector<2000x128xf32>
    tpu.vector_store %arg8[%swap3A, %swap3A_39], %mul3A_38 {strides = array<i32>} : memref<2000x128xf32, #tpu.memory_space<vmem>>, vector<2000x128xf32>,
    return
  }
  func.func @transform_0(%arg0: i32) -> (i32, i32) {
    %c0_i32 = arith.constant 0 : i32
    %c0_i32_0 = arith.constant 0 : i32
    return %arg0, %c0_i32 : i32, i32
  }
  func.func @transform_1(%arg0: i32) -> (i32, i32) {
    %c0_i32 = arith.constant 0 : i32
    %c0_i32_0 = arith.constant 0 : i32
    return %arg0, %c0_i32 : i32, i32
  }
  func.func @transform_2(%arg0: i32) -> (i32, i32) {
    %c0_i32 = arith.constant 0 : i32
    %c0_i32_0 = arith.constant 0 : i32
    return %arg0, %c0_i32 : i32, i32
  }
  func.func @transform_3(%arg0: i32) -> (i32, i32) {
    %c0_i32 = arith.constant 0 : i32
    %c0_i32_0 = arith.constant 0 : i32
    %c0_i32_1 = arith.constant 0 : i32
    return %c0_i32, %c0_i32_0 : i32, i32
  }
  func.func @transform_4(%arg0: i32) -> i32 {
    %c0_i32 = arith.constant 0 : i32
    %c0_i32_0 = arith.constant 0 : i32
    return %c0_i32 : i32
  }
  func.func @transform_5(%arg0: i32) -> (i32, i32) {
    %c0_i32 = arith.constant 0 : i32
    %c0_i32_0 = arith.constant 0 : i32
    %c0_i32_1 = arith.constant 0 : i32
    return %c0_i32, %c0_i32_0 : i32, i32
  }
  func.func @transform_6(%arg0: i32) -> i32 {
    %c0_i32 = arith.constant 0 : i32
    %c0_i32_0 = arith.constant 0 : i32
    return %c0_i32 : i32
  }
  func.func @transform_7(%arg0: i32) -> (i32, i32) {
    %c0_i32 = arith.constant 0 : i32
    %c0_i32_0 = arith.constant 0 : i32
    return %arg0, %c0_i32 : i32, i32
  }
}

module attributes {stable_mosaic.version = 14 : i64} {
  func.func @_agg_body(%arg0: i32, %arg1: memref<1000x128xf32, #tpu.memory_space<vmem>>, %arg2: memref<2x1000x128xf32, #tpu.memory_space<vmem>>, %arg3: memref<1000x1xf32, #tpu.memory_space<vmem>>, %arg4: memref<1000x1xf32, #tpu.memory_space<vmem>>, %arg5: memref<128x128xf32, #tpu.memory_space<vmem>>, %arg6: memref<128x128xf32, #tpu.memory_space<vmem>>, %arg7: memref<128xf32, #tpu.memory_space<vmem>>, %arg8: memref<128x128xf32, #tpu.memory_space<vmem>>, %arg9: memref<128xf32, #tpu.memory_space<vmem>>, %arg10: memref<1000x128xf32, #tpu.memory_space<vmem>>) attributes {dimension_semantics = [#tpu.dimension_semantics<arbitrary>], iteration_bounds = array<i64: 10>, scalar_prefetch = 0 : i64, scratch_operands = 0 : i64, tpu.core_type = #tpu.core_type<tc>, window_params = [{transform_indices = @transform_0, window_bounds = array<i64: 1000, 128>}, {transform_indices = @transform_1, window_bounds = array<i64: 2, 1000, 128>}, {transform_indices = @transform_2, window_bounds = array<i64: 1000, 1>}, {transform_indices = @transform_3, window_bounds = array<i64: 1000, 1>}, {pipeline_mode = #tpu.pipeline_mode<synchronous>, transform_indices = @transform_4, window_bounds = array<i64: 128, 128>}, {pipeline_mode = #tpu.pipeline_mode<synchronous>, transform_indices = @transform_5, window_bounds = array<i64: 128, 128>}, {pipeline_mode = #tpu.pipeline_mode<synchronous>, transform_indices = @transform_6, window_bounds = array<i64: 128>}, {pipeline_mode = #tpu.pipeline_mode<synchronous>, transform_indices = @transform_7, window_bounds = array<i64: 128, 128>}, {pipeline_mode = #tpu.pipeline_mode<synchronous>, transform_indices = @transform_8, window_bounds = array<i64: 128>}, {transform_indices = @transform_9, window_bounds = array<i64: 1000, 128>}]} {
    %get3A = arith.constant 0 : index
    %get3A_0 = arith.constant 0 : index
    %get3A_1 = vector.load %arg1[%get3A, %get3A_0] : memref<1000x128xf32, #tpu.memory_space<vmem>>, vector<1000x128xf32>
    %get3A_2 = arith.constant 0 : index
    %get3A_3 = arith.constant 0 : index
    %get3A_4 = arith.constant 0 : index
    %get3A_5 = vector.load %arg2[%get3A_2, %get3A_3, %get3A_4] : memref<2x1000x128xf32, #tpu.memory_space<vmem>>, vector<1x1000x128xf32>
    %get3A_6 = vector.shape_cast %get3A_5 : vector<1x1000x128xf32> to vector<1000x128xf32>
    %get3A_7 = arith.constant 1 : index
    %get3A_8 = arith.constant 0 : index
    %get3A_9 = arith.constant 0 : index
    %get3A_10 = vector.load %arg2[%get3A_7, %get3A_8, %get3A_9] : memref<2x1000x128xf32, #tpu.memory_space<vmem>>, vector<1x1000x128xf32>
    %get3A_11 = vector.shape_cast %get3A_10 : vector<1x1000x128xf32> to vector<1000x128xf32>
    %add3A = arith.addf %get3A_6, %get3A_11 : vector<1000x128xf32>
    %get3A_12 = arith.constant 0 : index
    %get3A_13 = arith.constant 0 : index
    %get3A_14 = vector.load %arg3[%get3A_12, %get3A_13] : memref<1000x1xf32, #tpu.memory_space<vmem>>, vector<1000x1xf32>
    %get3A_15 = arith.constant 0 : index
    %get3A_16 = arith.constant 0 : index
    %get3A_17 = vector.load %arg4[%get3A_15, %get3A_16] : memref<1000x1xf32, #tpu.memory_space<vmem>>, vector<1000x1xf32>
    %add3A_18 = arith.addf %get3A_14, %get3A_17 : vector<1000x1xf32>
    %max3A = arith.constant 1.000000e+00 : f32
    %max3A_19 = vector.broadcast %max3A : f32 to vector<1000x1xf32>
    %max3A_20 = arith.maximumf %add3A_18, %max3A_19 : vector<1000x1xf32>
    %div3A = vector.broadcast %max3A_20 : vector<1000x1xf32> to vector<1000x128xf32>
    %div3A_21 = arith.divf %add3A, %div3A : vector<1000x128xf32>
    %get3A_22 = arith.constant 0 : index
    %get3A_23 = arith.constant 0 : index
    %get3A_24 = vector.load %arg5[%get3A_22, %get3A_23] : memref<128x128xf32, #tpu.memory_space<vmem>>, vector<128x128xf32>
    %dot_general3A = arith.constant dense<0.000000e+00> : vector<1000x128xf32>
    %dot_general3A_25 = tpu.matmul %get3A_1, %get3A_24, %dot_general3A {dimension_numbers = #tpu.dot_dimension_numbers<[1], [0], [0], [1], [0, 0, 1, 1], [], []>, transpose_lhs_hint = false} : vector<1000x128xf32>, vector<128x128xf32>, vector<1000x128xf32> -> vector<1000x128xf32>
    %get3A_26 = arith.constant 0 : index
    %get3A_27 = arith.constant 0 : index
    %get3A_28 = vector.load %arg6[%get3A_26, %get3A_27] : memref<128x128xf32, #tpu.memory_space<vmem>>, vector<128x128xf32>
    %dot_general3A_29 = arith.constant dense<0.000000e+00> : vector<1000x128xf32>
    %dot_general3A_30 = tpu.matmul %div3A_21, %get3A_28, %dot_general3A_29 {dimension_numbers = #tpu.dot_dimension_numbers<[1], [0], [0], [1], [0, 0, 1, 1], [], []>, transpose_lhs_hint = false} : vector<1000x128xf32>, vector<128x128xf32>, vector<1000x128xf32> -> vector<1000x128xf32>
    %add3A_31 = arith.addf %dot_general3A_25, %dot_general3A_30 : vector<1000x128xf32>
    %get3A_32 = arith.constant 0 : index
    %get3A_33 = vector.load %arg7[%get3A_32] : memref<128xf32, #tpu.memory_space<vmem>>, vector<128xf32>
    %broadcast_in_dim3A = vector.shape_cast %get3A_33 : vector<128xf32> to vector<1x128xf32>
    %add3A_34 = vector.broadcast %broadcast_in_dim3A : vector<1x128xf32> to vector<1000x128xf32>
    %add3A_35 = arith.addf %add3A_31, %add3A_34 : vector<1000x128xf32>
    %logistic3A = arith.negf %add3A_35 : vector<1000x128xf32>
    %logistic3A_36 = math.exp %logistic3A : vector<1000x128xf32>
    %logistic3A_37 = arith.constant 1.000000e+00 : f32
    %logistic3A_38 = vector.broadcast %logistic3A_37 : f32 to vector<1000x128xf32>
    %logistic3A_39 = arith.addf %logistic3A_38, %logistic3A_36 : vector<1000x128xf32>
    %logistic3A_40 = arith.divf %logistic3A_38, %logistic3A_39 : vector<1000x128xf32>
    %mul3A = arith.mulf %add3A_35, %logistic3A_40 : vector<1000x128xf32>
    %get3A_41 = arith.constant 0 : index
    %get3A_42 = arith.constant 0 : index
    %get3A_43 = vector.load %arg8[%get3A_41, %get3A_42] : memref<128x128xf32, #tpu.memory_space<vmem>>, vector<128x128xf32>
    %dot_general3A_44 = arith.constant dense<0.000000e+00> : vector<1000x128xf32>
    %dot_general3A_45 = tpu.matmul %mul3A, %get3A_43, %dot_general3A_44 {dimension_numbers = #tpu.dot_dimension_numbers<[1], [0], [0], [1], [0, 0, 1, 1], [], []>, transpose_lhs_hint = false} : vector<1000x128xf32>, vector<128x128xf32>, vector<1000x128xf32> -> vector<1000x128xf32>
    %get3A_46 = arith.constant 0 : index
    %get3A_47 = vector.load %arg9[%get3A_46] : memref<128xf32, #tpu.memory_space<vmem>>, vector<128xf32>
    %broadcast_in_dim3A_48 = vector.shape_cast %get3A_47 : vector<128xf32> to vector<1x128xf32>
    %add3A_49 = vector.broadcast %broadcast_in_dim3A_48 : vector<1x128xf32> to vector<1000x128xf32>
    %add3A_50 = arith.addf %dot_general3A_45, %add3A_49 : vector<1000x128xf32>
    %logistic3A_51 = arith.negf %add3A_50 : vector<1000x128xf32>
    %logistic3A_52 = math.exp %logistic3A_51 : vector<1000x128xf32>
    %logistic3A_53 = arith.constant 1.000000e+00 : f32
    %logistic3A_54 = vector.broadcast %logistic3A_53 : f32 to vector<1000x128xf32>
    %logistic3A_55 = arith.addf %logistic3A_54, %logistic3A_52 : vector<1000x128xf32>
    %logistic3A_56 = arith.divf %logistic3A_54, %logistic3A_55 : vector<1000x128xf32>
    %mul3A_57 = arith.mulf %add3A_50, %logistic3A_56 : vector<1000x128xf32>
    %add3A_58 = arith.addf %get3A_1, %mul3A_57 : vector<1000x128xf32>
    %swap3A = arith.constant 0 : index
    %swap3A_59 = arith.constant 0 : index
    %swap3A_60 = vector.load %arg10[%swap3A, %swap3A_59] : memref<1000x128xf32, #tpu.memory_space<vmem>>, vector<1000x128xf32>
    tpu.vector_store %arg10[%swap3A, %swap3A_59], %add3A_58 {strides = array<i32>} : memref<1000x128xf32, #tpu.memory_space<vmem>>, vector<1000x128xf32>,
    return
  }
  func.func @transform_0(%arg0: i32) -> (i32, i32) {
    %c0_i32 = arith.constant 0 : i32
    %c0_i32_0 = arith.constant 0 : i32
    return %arg0, %c0_i32 : i32, i32
  }
  func.func @transform_1(%arg0: i32) -> (i32, i32, i32) {
    %c0_i32 = arith.constant 0 : i32
    %c0_i32_0 = arith.constant 0 : i32
    %c0_i32_1 = arith.constant 0 : i32
    return %c0_i32, %arg0, %c0_i32_0 : i32, i32, i32
  }
  func.func @transform_2(%arg0: i32) -> (i32, i32) {
    %c0_i32 = arith.constant 0 : i32
    %c0_i32_0 = arith.constant 0 : i32
    return %arg0, %c0_i32 : i32, i32
  }
  func.func @transform_3(%arg0: i32) -> (i32, i32) {
    %c0_i32 = arith.constant 0 : i32
    %c0_i32_0 = arith.constant 0 : i32
    return %arg0, %c0_i32 : i32, i32
  }
  func.func @transform_4(%arg0: i32) -> (i32, i32) {
    %c0_i32 = arith.constant 0 : i32
    %c0_i32_0 = arith.constant 0 : i32
    %c0_i32_1 = arith.constant 0 : i32
    return %c0_i32, %c0_i32_0 : i32, i32
  }
  func.func @transform_5(%arg0: i32) -> (i32, i32) {
    %c0_i32 = arith.constant 0 : i32
    %c0_i32_0 = arith.constant 0 : i32
    %c0_i32_1 = arith.constant 0 : i32
    return %c0_i32, %c0_i32_0 : i32, i32
  }
  func.func @transform_6(%arg0: i32) -> i32 {
    %c0_i32 = arith.constant 0 : i32
    %c0_i32_0 = arith.constant 0 : i32
    return %c0_i32 : i32
  }
  func.func @transform_7(%arg0: i32) -> (i32, i32) {
    %c0_i32 = arith.constant 0 : i32
    %c0_i32_0 = arith.constant 0 : i32
    %c0_i32_1 = arith.constant 0 : i32
    return %c0_i32, %c0_i32_0 : i32, i32
  }
  func.func @transform_8(%arg0: i32) -> i32 {
    %c0_i32 = arith.constant 0 : i32
    %c0_i32_0 = arith.constant 0 : i32
    return %c0_i32 : i32
  }
  func.func @transform_9(%arg0: i32) -> (i32, i32) {
    %c0_i32 = arith.constant 0 : i32
    %c0_i32_0 = arith.constant 0 : i32
    return %arg0, %c0_i32 : i32, i32
  }
}

</mosaic_0001>

<sc_bundles>
// kernel: kernel.10.cloned.1.call-start
scs
__scs_entry_jumppad:
0x0: {  	(pc) =	sbr.rel $0x88, $3  }
0x1: {  	(tag) =	ssettag $0x0;
	lr =	simm.s32 $0x1  }
0x2: {  	[smem:$0x3F94] =	sst lr;
	_ =	strace $0xD0000000  }
0x3: {  	_ = 	snop  }
0x4: {  	_ = 	snop  }
0x5: {  	_ = 	snop  }
0x6: {  	_ = 	snop  }
0x7: {  	_ = 	snop  }
__scs_overlays_trampoline_lowered:
0x8: {  	[smem:$0x3FA3] =	sst s0  }
0x9: {  	[smem:$0x3FA4] =	sst s1  }
0xa: {  	[smem:$0x3FA5] =	sst s2  }
0xb: {  	[smem:$0x3FA6] =	sst s3  }
0xc: {  	[smem:$0x3FA7] =	sst s4  }
0xd: {  	[smem:$0x3FA8] =	sst s5  }
0xe: {  	[smem:$0x3FA9] =	sst s6  }
0xf: {  	[smem:$0x3FAA] =	sst s7  }
0x10: {  	[smem:$0x3FAB] =	sst s8  }
0x11: {  	[smem:$0x3FAC] =	sst s9;
	s0 =	simm.s32 @!p0 $0x0  }
0x12: {  	s1 =	sld [smem:$0x3F92];
	s0 =	simm.s32 @p0 $0x1  }
0x13: {  	[smem:$0x3FAD] =	sst s0;
	s0 =	simm.s32 @!p1 $0x0  }
0x14: {  	s2 =	sld [smem:$0x3F91];
	s0 =	simm.s32 @p1 $0x1  }
0x15: {  	[smem:$0x3FAE] =	sst s0;
	s0 =	simm.s32 @!p2 $0x0  }
0x16: {  	s3 =	sld [smem:$0x3FDB];
	s0 =	simm.s32 @p2 $0x1  }
0x17: {  	s4 =	simm.s32 $0x1BF5;
	[smem:$0x3FB0] =	sst s0  }
0x18: {  	s0 =	sld [smem:$0x3F93];
	_ =	swait.ge [sflag:s4], $0x0  }
0x19: {  	s7 =	sld [smem:$0x3F94]  }
0x1a: {  	s8 =	sadd.s32 $0xFFFFE003, lr  }
0x1b: {  	s9 =	sadd.s32 $0xFFFFFEF7, lr;
	s5 =	simm.s32 $0xFFFFFFFF;
	p2 =	slt.u32 s8, $0xFFFFF086  }
0x1c: {  	p1 =	slt.u32 s9, $0xF7A;
	s5 =	simm.s32 @!p2 $0x0  }
0x1d: {  	s5 =	simm.s32 @p1 $0x1;
	p0 =	seq.s32 s7, s2  }
0x1e: {  	s7 =	smul.u32 @!p0 $0xF7A, s2;
	p2 =	seq.s32 @!p0 s5, $0x0  }
0x1f: {  	s9 =	smul.u32 $0xF7A, s1;
	s8 =	simm.s32 @!p0 $0x1BF5;
	p2 =	por !p2, p0  }
0x20: {  	[sflag:s8] =	ssyncset.s32 @!p0 $0xFFFFF086;
	s6 =	sadd.s32 @!p0 s3, s7;
	s7 =	simm.s32 @!p0 $0x108  }
0x21: {  	s3 =	sadd.s32 s3, s9;
	s6 =	sadd.s32 @!p0 $0x88, s6;
	s7 =	simm.s32 @p2 $0x1082  }
0x22: {  	[simem:s7], [sflag:s8] =	dma.local @!p0 [hbm:s6], $0xF7A  }
0x23: {  	s9 =	sor.u32 $0xD0000000, s2;
	s6 =	simm.s32 $0x108;
	_ =	swait.ge @!p0 [sflag:s8], $0x0  }
0x24: {  	s3 =	sadd.s32 $0x88, s3;
	s6 =	simm.s32 @!p1 $0x1082;
	[sflag:s4] =	ssyncset.s32 $0xFFFFF086  }
0x25: {  	[simem:s6], [sflag:s4] =	dma.local [hbm:s3], $0xF7A  }
0x26: {  	[smem:$0x3F94] =	sst s1;
	(tag) =	ssettag s2;
	_ =	strace s9  }
0x27: {  	s1 =	sld [smem:$0x3FA4]  }
0x28: {  	s2 =	sld [smem:$0x3FA5]  }
0x29: {  	s4 =	sld [smem:$0x3FA7]  }
0x2a: {  	p0 =	seq.s32 s5, $0x0;
	s5 =	sld [smem:$0x3FA8]  }
0x2b: {  	s6 =	sld [smem:$0x3FA9]  }
0x2c: {  	s7 =	sld [smem:$0x3FAA]  }
0x2d: {  	s3 =	simm.s32 $0x108;
	s8 =	sld [smem:$0x3FAB]  }
0x2e: {  	s3 =	simm.s32 @!p0 $0x1082;
	s9 =	sld [smem:$0x3FAC]  }
0x2f: {  	lr =	sadd.s32 s0, s3;
	s0 =	sld [smem:$0x3FA3]  }
0x30: {  	s3 =	sld [smem:$0x3FA6]  }
0x31: {  	[smem:$0x3FAF] =	sst s10  }
0x32: {  	s10 =	sld [smem:$0x3FAD];
	_ =	sdelay $0x3  }
0x33: {  	p0 =	seq.s32 s10, $0x1;
	s10 =	sld [smem:$0x3FAF];
	_ =	sdelay $0x3  }
0x34: {  	[smem:$0x3FAF] =	sst s10  }
0x35: {  	s10 =	sld [smem:$0x3FAE];
	_ =	sdelay $0x3  }
0x36: {  	p1 =	seq.s32 s10, $0x1;
	s10 =	sld [smem:$0x3FAF];
	_ =	sdelay $0x3  }
0x37: {  	[smem:$0x3FAF] =	sst s10  }
0x38: {  	s10 =	sld [smem:$0x3FB0]  }
0x39: {  	_ = 	snop;
	(pc) =	sbr.ind lr, $3  }
0x3a: {  	_ = 	snop  }
0x3b: {  	_ = 	snop  }
0x3c: {  	p2 =	seq.s32 s10, $0x1;
	s10 =	sld [smem:$0x3FAF]  }
0x3d: {  	_ =	shalt  }
0x3e: {  	_ =	shalt  }
0x3f: {  	_ =	shalt  }
0x40: {  	_ =	shalt  }
0x41: {  	_ =	shalt  }
0x42: {  	_ =	shalt  }
0x43: {  	_ =	shalt  }
0x44: {  	_ =	shalt  }
0x45: {  	_ =	shalt  }
0x46: {  	_ =	shalt  }
0x47: {  	_ =	shalt  }
0x48: {  	_ =	shalt  }
0x49: {  	_ =	shalt  }
0x4a: {  	_ =	shalt  }
0x4b: {  	_ =	shalt  }
0x4c: {  	_ =	shalt  }
0x4d: {  	_ =	shalt  }
0x4e: {  	_ =	shalt  }
0x4f: {  	_ =	shalt  }
0x50: {  	_ =	shalt  }
0x51: {  	_ =	shalt  }
0x52: {  	_ =	shalt  }
0x53: {  	_ =	shalt  }
0x54: {  	_ =	shalt  }
0x55: {  	_ =	shalt  }
0x56: {  	_ =	shalt  }
0x57: {  	_ =	shalt  }
0x58: {  	_ =	shalt  }
0x59: {  	_ =	shalt  }
0x5a: {  	_ =	shalt  }
0x5b: {  	_ =	shalt  }
0x5c: {  	_ =	shalt  }
0x5d: {  	_ =	shalt  }
0x5e: {  	_ =	shalt  }
0x5f: {  	_ =	shalt  }
0x60: {  	_ =	shalt  }
0x61: {  	_ =	shalt  }
0x62: {  	_ =	shalt  }
0x63: {  	_ =	shalt  }
0x64: {  	_ =	shalt  }
0x65: {  	_ =	shalt  }
0x66: {  	_ =	shalt  }
0x67: {  	_ =	shalt  }
0x68: {  	_ =	shalt  }
0x69: {  	_ =	shalt  }
0x6a: {  	_ =	shalt  }
0x6b: {  	_ =	shalt  }
0x6c: {  	_ =	shalt  }
0x6d: {  	_ =	shalt  }
0x6e: {  	_ =	shalt  }
0x6f: {  	_ =	shalt  }
0x70: {  	_ =	shalt  }
0x71: {  	_ =	shalt  }
0x72: {  	_ =	shalt  }
0x73: {  	_ =	shalt  }
0x74: {  	_ =	shalt  }
0x75: {  	_ =	shalt  }
0x76: {  	_ =	shalt  }
0x77: {  	_ =	shalt  }
0x78: {  	_ =	shalt  }
0x79: {  	_ =	shalt  }
0x7a: {  	_ =	shalt  }
0x7b: {  	_ =	shalt  }
0x7c: {  	_ =	shalt  }
0x7d: {  	_ =	shalt  }
0x7e: {  	_ =	shalt  }
0x7f: {  	_ =	shalt  }
0x80: {  	_ =	shalt  }
0x81: {  	_ =	shalt  }
0x82: {  	_ =	shalt  }
0x83: {  	_ =	shalt  }
0x84: {  	_ =	shalt  }
0x85: {  	_ =	shalt  }
0x86: {  	_ =	shalt  }
0x87: {  	_ =	shalt  }
.Lfunc_end0:
.L_simem_size_0:
called_computation.1_lowered:
.L_overlay_start_0:
0x88: {  	s2 =	sld [smem:$0x3FD9]  }
0x89: {  	s3 =	sld [smem:$0x3FFE];
	_ =	sdelay $0x1  }
0x8a: {  	s1 =	srdreg.scid  }
0x8b: {  	s0 =	sand.u32 $0x1, s1  }
0x8c: {  	s17 =	sshll.u32 s0, $0xA;
	s2 =	sadd.s32 s3, s2  }
0x8d: {  	s2 =	sadd.s32 s2, s17  }
0x8e: {  	[smem:$0x3FBB] =	sst s2  }
0x8f: {  	_ = 	snop  }
0x90: {  	s2 =	sld [smem:$0x3FD0];
	(tm) =	ssettm $0x1  }
0x91: {  	s18 =	sld [smem:$0x3FFB];
	_ =	sdelay $0x3  }
0x92: {  	_ =	strace s18  }
0x93: {  	s3 =	sld [smem:$0x3FFC];
	_ =	sdelay $0x3  }
0x94: {  	_ =	strace s3  }
0x95: {  	s3 =	sld [smem:$0x3FFD];
	_ =	sdelay $0x3  }
0x96: {  	_ =	strace s3  }
0x97: {  	_ =	strace $0x8FFFFFFF  }
0x98: {  	s19 =	sld [smem:$0x3FDB];
	_ =	sdelay $0x1  }
0x99: {  	s4 =	simm.s32 $_scs_section_size  }
0x9a: {  	s5 =	simm.s32 $_size__tile_overlayer_lowered;
	s6 =	simm.s32 $_tile_overlayer_lowered  }
0x9b: {  	s22 =	simm.s32 $0x1BFF;
	s21 =	sshll.u32 s6, $0x1;
	s3 =	sadd.s32 s4, s19  }
0x9c: {  	s7 =	simm.s32 $0x0;
	s20 =	sshll.u32 s5, $0x1;
	s5 =	sadd.s32 s21, s3  }
0x9d: {  	[timem:s7], [sflag:s22] =	dma.local [hbm:s5], s20  }
0x9e: {  	_ =	swait.ge [sflag:s22], s20  }
0x9f: {  	s4 =	ssub.s32 $0x0, s20;
	[sflag:s22] =	ssyncset.done $0x0  }
0xa0: {  	[sflag:s22] =	ssyncadd.s32 s4;
	_ =	sdelay $0x1  }
0xa1: {  	s23 =	simm.s32 $0x1B8B  }
0xa2: {  	_ =	swait.ge [sflag:s23], $0x1  }
0xa3: {  	[sflag:s23] =	ssyncset.done $0x0  }
0xa4: {  	s25 =	simm.s32 $0x1B8E;
	s24 =	sld [smem:$0x3FFE];
	[sflag:s23] =	ssyncadd.s32 $0xFFFFFFFF  }
0xa5: {  	s26 =	simm.s32 $execute0_lowered;
	[smem:$0x3FD2] =	sst s25  }
0xa6: {  	s5 =	sshll.u32 s26, $0x1;
	_ =	strace $0x80000049;
	[dreg:$0x1] =	wrdreg $0xFFFFFFFF  }
0xa7: {  	s28 =	simm.s32 $_size_execute0_lowered;
	s3 =	sadd.s32 s3, s5;
	[dreg:$0x0] =	wrdreg $0x0  }
0xa8: {  	s5 =	sshll.u32 s28, $0x1;
	[dreg:$0x2] =	wrdreg s3  }
0xa9: {  	[dreg:$0x3] =	wrdreg s5  }
0xaa: {  	[dreg:$0x4] =	wrdreg $0xC0  }
0xab: {  	_ =	task [dreg:s7], $0x5FFFF  }
0xac: {  	[dreg:$0x1] =	wrdreg $0xFFFFFFFF  }
0xad: {  	[dreg:$0x0] =	wrdreg $0x60  }
0xae: {  	[dreg:$0x2] =	wrdreg s24  }
0xaf: {  	[dreg:$0x3] =	wrdreg s2  }
0xb0: {  	[dreg:$0x4] =	wrdreg $0x81800  }
0xb1: {  	[dreg:$0x5] =	wrdreg $0x1C1800  }
0xb2: {  	[dreg:$0x6] =	wrdreg $0x9  }
0xb3: {  	_ =	task.clear_ibuf [dreg:s7], $0x7FFFF;
	_ =	strace $0x90000049  }
0xb4: {  	s29 =	simm.s32 $0x9;
	_ =	strace $0x8000004B  }
0xb5: {  	_ =	swait.ge [sflag:s29], $0x1  }
0xb6: {  	[sflag:s29] =	ssyncadd.s32 $0xFFFFFFFF  }
0xb7: {  	_ =	strace $0x9000004B  }
0xb8: {  	_ =	sfence  }
0xb9: {  	s30 =	sld [smem:$0x0];
	_ =	sdelay $0x2  }
0xba: {  	s31 =	sshll.u32 s1, $0xD;
	s1 =	sshrl.u32 s1, $0x2  }
0xbb: {  	s3 =	sand.u32 $0x4000, s31;
	s1 =	sadd.s32 s1, s30  }
0xbc: {  	s0 =	sor.u32 s3, s0;
	s1 =	sshll.u32 s1, $0x11  }
0xbd: {  	s0 =	sor.u32 s1, s0  }
0xbe: {  	s0 =	sadd.s32 $0x8F2B, s0  }
0xbf: {  	[sflag:s0] =	ssyncadd.remote.s32 $0x1  }
0xc0: {  	_ =	sfence.sel $0xFFFF  }
0xc1: {  	[dreg:$0x0] =	wrdreg $0xFFFFFFFF;
	(pc) =	sbr.abs _section_cstart, $3  }
0xc2: {  	[dreg:$0x1] =	wrdreg $0xFFFFFFFF  }
0xc3: {  	_ =	task.clear_ibuf [dreg:s7], $0x2FFFF;
	_ =	strace $0x9FFFFFFF  }
0xc4: {  	(tm) =	ssettm $0x7FFFFFFF  }
0xc5: {  	_ =	shalt  }
tec
execute0_lowered:
.L_overlay_start_1:
0x0: {  	(tag) =	ssettag $0x1  }
0x1: {  	s0 =	rddreg [dreg:$0x0];
	s1 =	srdreg.scid  }
0x2: {  	s11 =	rddreg [dreg:$0x1];
	s24 =	stileid.u32  }
0x3: {  	s12 =	sand.u32 $0x1, s1;
	s1 =	rddreg [dreg:$0x2];
	s13 =	sadd.s32 $0x18000, s0  }
0x4: {  	s4 =	sshll.u32 s24, $0xE;
	s23 =	sshll.u32 s24, $0x1;
	s10 =	smul.u32 $0x140000, s12  }
0x5: {  	s25 =	sshll.u32 s24, $0x5;
	p0 =	slt.u32 s24, $0x2;
	s2 =	ssub.s32 $0x2, s12  }
0x6: {  	s14 =	smul.u32 $0x2800, s12;
	s3 =	sshrl.u32 s2, $0x1;
	s5 =	sor.u32 s10, s4  }
0x7: {  	s2 =	ssub.s32 s2, s3;
	s3 =	sshll.u32 s24, $0x7;
	s5 =	sshrl.u32 s5, $0x3  }
0x8: {  	s7 =	sor.u32 $0x800, s3;
	s6 =	sor.u32 $0x1000, s3;
	s8 =	sor.u32 $0x1800, s3  }
0x9: {  	s15 =	sor.u32 s14, s3;
	s5 =	sadd.s32 s13, s5;
	s19 =	sshll.u32 s7, $0x7  }
0xa: {  	s9 =	sshll.u32 s6, $0x7;
	s20 =	sshll.u32 s8, $0x7;
	s15 =	sshrl.u32 s15, $0x3  }
0xb: {  	s16 =	sadd.s32 s14, s7;
	s30 =	sadd.s32 s14, s6;
	[dreg:$0x5] =	wrdreg s5  }
0xc: {  	s5 =	sor.u32 $0x2000, s3;
	s15 =	sadd.s32 s11, s15;
	s26 =	sadd.s32 s10, s19  }
0xd: {  	s16 =	sshrl.u32 s16, $0x3;
	s17 =	sadd.s32 s10, s9;
	s31 =	sadd.s32 s10, s20  }
0xe: {  	s20 =	sadd.s32 s20, s1;
	s22 =	sshll.u32 s5, $0x7;
	[dreg:$0x6] =	wrdreg s15  }
0xf: {  	s15 =	sshrl.u32 s26, $0x3;
	s28 =	sadd.s32 s11, s16;
	s29 =	sshrl.u32 s17, $0x3  }
0x10: {  	s16 =	sshrl.u32 s31, $0x3;
	s17 =	sadd.s32 s14, s8;
	s18 =	sadd.s32 s14, s5  }
0x11: {  	s26 =	sshll.u32 s12, $0x4;
	s31 =	smax.u32 s2, $0x1;
	s2 =	sadd.s32 s4, s1  }
0x12: {  	s4 =	sadd.s32 s19, s1;
	s15 =	sadd.s32 s13, s15;
	[dreg:$0x8] =	wrdreg s28  }
0x13: {  	s10 =	sadd.s32 s10, s22;
	s16 =	sadd.s32 s13, s16;
	[dreg:$0x7] =	wrdreg s15  }
0x14: {  	s21 =	sshrl.u32 s17, $0x3;
	s15 =	sadd.s32 s13, s29;
	[dreg:$0xb] =	wrdreg s16  }
0x15: {  	s28 =	sshll.u32 s24, $0xC;
	s14 =	sadd.s32 s11, s21;
	[dreg:$0x9] =	wrdreg s15  }
0x16: {  	s17 =	sadd.s32 $0x4400, s0;
	s10 =	sshrl.u32 s10, $0x3;
	[dreg:$0xd] =	wrdreg s14  }
0x17: {  	s15 =	sshrl.u32 s30, $0x3;
	s10 =	sadd.s32 s13, s10;
	s14 =	rddreg [dreg:$0x3]  }
0x18: {  	s13 =	sshrl.u32 s18, $0x3;
	s15 =	sadd.s32 s11, s15;
	[dreg:$0xc] =	wrdreg s10  }
0x19: {  	s16 =	sadd.s32 $0xE200, s0;
	s11 =	sadd.s32 s11, s13;
	[dreg:$0xa] =	wrdreg s15  }
0x1a: {  	s18 =	sadd.s32 $0x4E00, s0;
	s10 =	simm.s32 $0x0;
	[dreg:$0xe] =	wrdreg s11  }
0x1b: {  	[smem:$0x7FF] =	sst s10;
	s15 =	sadd.s32 $0xEE5200, s0;
	s0 =	sadd.s32 $0x4C00, s0  }
0x1c: {  	s21 =	simm.s32 $0x4E;
	_ =	strace $0x8000004A;
	[dreg:$0xf] =	wrdreg s0  }
0x1d: {  	s21 =	simm.s32 @!p0 $0x4D;
	p0 =	sgt.u32 s24, $0x1;
	[dreg:$0x12] =	wrdreg s31  }
0x1e: {  	s13 =	sor.u32 s26, s25;
	s3 =	sadd.s32 s3, s14;
	[dreg:$0x13] =	wrdreg s2  }
0x1f: {  	s7 =	sadd.s32 s7, s14;
	s19 =	sadd.s32 s6, s14;
	[dreg:$0x14] =	wrdreg s3  }
0x20: {  	s25 =	sadd.s32 s8, s14;
	s26 =	sadd.s32 s22, s1;
	[dreg:$0x15] =	wrdreg s4  }
0x21: {  	s6 =	simm.s32 $0x8100;
	s8 =	simm.s32 $0x8080;
	[dreg:$0x16] =	wrdreg s7  }
0x22: {  	s11 =	sor.u32 s12, s23;
	s12 =	sshll.u32 s12, $0xB;
	[dreg:$0x18] =	wrdreg s19  }
0x23: {  	s12 =	sor.u32 s12, s28;
	s29 =	sshll.u32 s11, $0x4;
	[dreg:$0x19] =	wrdreg s20  }
0x24: {  	s30 =	sshll.u32 s11, $0xB;
	s23 =	sshll.u32 s11, $0x7;
	[dreg:$0x1a] =	wrdreg s25  }
0x25: {  	s11 =	sadd.s32 s9, s1;
	[dreg:$0x1b] =	wrdreg s26;
	s28 =	sadd.s32 s13, s16  }
0x26: {  	s7 =	simm.s32 $0x8000;
	s0 =	sadd.s32 s16, s29;
	[dreg:$0x17] =	wrdreg s11  }
0x27: {  	s9 =	simm.s32 $0x4000;
	[dreg:$0x10] =	wrdreg s0;
	s0 =	sadd.s32 s15, s30  }
0x28: {  	s29 =	sadd.s32 s12, s15;
	s30 =	sadd.s32 s5, s14;
	[dreg:$0x11] =	wrdreg s0  }
0x29: {  	s19 =	simm.s32 $0x2;
	s31 =	sadd.s32 $0x10000, s29;
	[dreg:$0x1c] =	wrdreg s30  }
0x2a: {  	s20 =	simm.s32 $0x0;
	s0 =	sadd.s32 $0x200, s28;
	[dreg:$0x1e] =	wrdreg s31  }
0x2b: {  	s11 =	simm.s32 $0x1;
	s12 =	simm.s32 $0x80;
	[dreg:$0x1d] =	wrdreg s0  }
.LBB2_1:
0x2c: {  	s0 =	rddreg [dreg:$0xf]  }
0x2d: {  	[tilespmem:s6], [sflag:$0x2] =	stream.linear.gather [hbm4b:s0+s10], $0x80, $0x38;
	[tilespmem:$0x1C400] =	vst v63  }
0x2e: {  	s3 =	stileid.u32;
	_ =	swait.ge [sflag:s19], $0x80  }
0x2f: {  	s0 =	sshll.u32 s3, $0x6;
	s4 =	rddreg [dreg:$0x13]  }
0x30: {  	s22 =	sor.u32 $0x1C02, s0;
	[sflag:s19] =	ssyncset.done $0x0;
	s0 =	sshrl.u32 s4, $0x3  }
0x31: {  	[sflag:s19] =	ssyncadd.s32 $0xFFFFFF80;
	[dreg:$0x1f] =	wrdreg s0  }
0x32: {  	[spmem:s0], [sflag:s22] =	dma.local [hbm:s17], $0x800  }
0x33: {  	_ =	swait.ge [sflag:s19], $0x800  }
0x34: {  	s5 =	rddreg [dreg:$0x14]  }
0x35: {  	[sflag:s19] =	ssyncset.done $0x0;
	s0 =	sshrl.u32 s5, $0x3  }
0x36: {  	[sflag:s19] =	ssyncadd.s32 $0xFFFFF800;
	[smem:$0x7FD] =	sst s0  }
0x37: {  	[spmem:s0], [sflag:s22] =	dma.local [hbm:s18], $0x10  }
0x38: {  	_ =	swait.ge [sflag:s19], $0x10  }
0x39: {  	[sflag:s19] =	ssyncset.done $0x0;
	s13 =	rddreg [dreg:$0x15]  }
0x3a: {  	[sflag:s19] =	ssyncadd.s32 $0xFFFFFFF0;
	s26 =	sshrl.u32 s13, $0x3  }
0x3b: {  	[spmem:s26], [sflag:s22] =	dma.local [hbm:s17], $0x800  }
0x3c: {  	_ =	swait.ge [sflag:s19], $0x800  }
0x3d: {  	[sflag:s19] =	ssyncset.done $0x0;
	s24 =	rddreg [dreg:$0x16]  }
0x3e: {  	[sflag:s19] =	ssyncadd.s32 $0xFFFFF800;
	s28 =	sshrl.u32 s24, $0x3  }
0x3f: {  	[spmem:s28], [sflag:s22] =	dma.local [hbm:s18], $0x10  }
0x40: {  	_ =	swait.ge [sflag:s19], $0x10  }
0x41: {  	[sflag:s19] =	ssyncset.done $0x0;
	s25 =	rddreg [dreg:$0x17]  }
0x42: {  	[sflag:s19] =	ssyncadd.s32 $0xFFFFFFF0;
	s29 =	sshrl.u32 s25, $0x3  }
0x43: {  	[spmem:s29], [sflag:s22] =	dma.local [hbm:s17], $0x800  }
0x44: {  	_ =	swait.ge [sflag:s19], $0x800  }
0x45: {  	[sflag:s19] =	ssyncset.done $0x0;
	s2 =	rddreg [dreg:$0x18]  }
0x46: {  	[sflag:s19] =	ssyncadd.s32 $0xFFFFF800;
	s30 =	sshrl.u32 s2, $0x3  }
0x47: {  	[spmem:s30], [sflag:s22] =	dma.local [hbm:s18], $0x10  }
0x48: {  	_ =	swait.ge [sflag:s19], $0x10  }
0x49: {  	[sflag:s19] =	ssyncset.done $0x0;
	s3 =	rddreg [dreg:$0x19]  }
0x4a: {  	[sflag:s19] =	ssyncadd.s32 $0xFFFFFFF0;
	s31 =	sshrl.u32 s3, $0x3  }
0x4b: {  	[spmem:s31], [sflag:s22] =	dma.local [hbm:s17], $0x800  }
0x4c: {  	_ =	swait.ge [sflag:s19], $0x800  }
0x4d: {  	[sflag:s19] =	ssyncset.done $0x0;
	s4 =	rddreg [dreg:$0x1a]  }
0x4e: {  	[sflag:s19] =	ssyncadd.s32 $0xFFFFF800;
	s13 =	sshrl.u32 s4, $0x3  }
0x4f: {  	[spmem:s13], [sflag:s22] =	dma.local [hbm:s18], $0x10  }
0x50: {  	_ =	swait.ge [sflag:s19], $0x10  }
0x51: {  	[sflag:s19] =	ssyncset.done $0x0;
	s5 =	rddreg [dreg:$0x1b]  }
0x52: {  	[sflag:s19] =	ssyncadd.s32 $0xFFFFFFF0;
	s0 =	sshrl.u32 s5, $0x3  }
0x53: {  	[spmem:s0], [sflag:s22] =	dma.local [hbm:s17], $0x800  }
0x54: {  	_ =	swait.ge [sflag:s19], $0x800  }
0x55: {  	[sflag:s19] =	ssyncset.done $0x0;
	s2 =	rddreg [dreg:$0x1c]  }
0x56: {  	[sflag:s19] =	ssyncadd.s32 $0xFFFFF800;
	s2 =	sshrl.u32 s2, $0x3  }
0x57: {  	[spmem:s2], [sflag:s22] =	dma.local [hbm:s18], $0x10  }
0x58: {  	_ =	swait.ge [sflag:s19], $0x10  }
0x59: {  	[sflag:s19] =	ssyncset.done $0x0  }
0x5a: {  	[sflag:s19] =	ssyncadd.s32 $0xFFFFFFF0  }
0x5b: {  	[bflag:$0x0] =	sbarrier.arrive $0xFFFF  }
0x5c: {  	s3 =	rddreg [dreg:$0x10]  }
0x5d: {  	[tilespmem:s7], [sflag:$0x1] =	stream.linear.gather [hbm4b:s3+s10], $0x80, $0x38;
	[tilespmem:$0x1C400] =	vst v63  }
0x5e: {  	s24 =	rddreg [dreg:$0x11]  }
0x5f: {  	[tilespmem:s10], [sflag:$0x1] =	stream.linear.gather [hbm4b:s24+s10], $0x4000, $0x38;
	[tilespmem:$0x1C400] =	vst v63  }
0x60: {  	s5 =	rddreg [dreg:$0x1d]  }
0x61: {  	[tilespmem:s8], [sflag:$0x1] =	stream.linear.gather [hbm4b:s5+s10], $0x80, $0x38;
	[tilespmem:$0x1C400] =	vst v63  }
0x62: {  	s24 =	rddreg [dreg:$0x1e]  }
0x63: {  	[tilespmem:s9], [sflag:$0x1] =	stream.linear.gather [hbm4b:s24+s10], $0x4000, $0x38;
	[tilespmem:$0x1C400] =	vst v63  }
0x64: {  	_ =	swait.ge [sflag:s11], $0x80  }
0x65: {  	[sflag:s11] =	ssyncset.done $0x0  }
0x66: {  	[sflag:s11] =	ssyncadd.s32 $0xFFFFFF80  }
0x67: {  	_ =	swait.ge [sflag:s11], $0x4000  }
0x68: {  	[sflag:s11] =	ssyncset.done $0x0  }
0x69: {  	[sflag:s11] =	ssyncadd.s32 $0xFFFFC000  }
0x6a: {  	[spmem:s1] =	stream.indirect.scatter.add.f32 [tilespmem:s10], [sflag:$0x2], $0x80, s7, s12, $0xb8;
	[tilespmem:$0x1C400] =	vst v63  }
0x6b: {  	_ =	swait.ge [sflag:s19], $0x4000  }
0x6c: {  	s25 =	smin.u32 s19, s21;
	[sflag:s19] =	ssyncset.done $0x0  }
0x6d: {  	s3 =	sshll.u32 s25, $0xC;
	[sflag:s19] =	ssyncadd.s32 $0xFFFFC000  }
0x6e: {  	[spmem:s14] =	stream.indirect.scatter.add.f32 [tilespmem:s6], [sflag:$0x2], $0x1, s7, s12, $0xb8;
	[tilespmem:$0x1C400] =	vst v63  }
0x6f: {  	s3 =	sor.u32 s23, s3;
	_ =	swait.ge [sflag:s19], $0x80  }
0x70: {  	s4 =	sshrl.u32 s3, $0x3;
	[sflag:s19] =	ssyncset.done $0x0  }
0x71: {  	s3 =	sshll.u32 s3, $0x4;
	s4 =	sadd.s32 s16, s4;
	[sflag:s19] =	ssyncadd.s32 $0xFFFFFF80  }
0x72: {  	[tilespmem:s7], [sflag:$0x1] =	stream.linear.gather [hbm4b:s4+s10], $0x80, $0x38;
	[tilespmem:$0x1C400] =	vst v63  }
0x73: {  	s3 =	sadd.s32 s15, s3  }
0x74: {  	[tilespmem:s10], [sflag:$0x1] =	stream.linear.gather [hbm4b:s3+s10], $0x4000, $0x38;
	[tilespmem:$0x1C400] =	vst v63  }
0x75: {  	_ =	swait.ge [sflag:s11], $0x80  }
0x76: {  	[sflag:s11] =	ssyncset.done $0x0  }
0x77: {  	[sflag:s11] =	ssyncadd.s32 $0xFFFFFF80  }
0x78: {  	_ =	swait.ge [sflag:s11], $0x4000  }
0x79: {  	[sflag:s11] =	ssyncset.done $0x0  }
0x7a: {  	[sflag:s11] =	ssyncadd.s32 $0xFFFFC000  }
0x7b: {  	[spmem:s1] =	stream.indirect.scatter.add.f32 [tilespmem:s9], [sflag:$0x2], $0x80, s8, s12, $0xb8;
	[tilespmem:$0x1C400] =	vst v63  }
0x7c: {  	_ =	swait.ge [sflag:s19], $0x4000  }
0x7d: {  	[sflag:s19] =	ssyncset.done $0x0  }
0x7e: {  	s4 =	smov.u32 s5;
	[sflag:s19] =	ssyncadd.s32 $0xFFFFC000  }
0x7f: {  	[spmem:s14] =	stream.indirect.scatter.add.f32 [tilespmem:s6], [sflag:$0x2], $0x1, s8, s12, $0xb8;
	[tilespmem:$0x1C400] =	vst v63  }
0x80: {  	s5 =	smov.u32 s24;
	s3 =	simm.s32 $0x4;
	_ =	swait.ge [sflag:s19], $0x80  }
.LBB2_2:
0x81: {  	[sflag:s19] =	ssyncset.done $0x0  }
0x82: {  	s4 =	sadd.s32 $0x400, s4;
	s5 =	sadd.s32 $0x20000, s5;
	s24 =	smov.u32 s3  }
0x83: {  	p1 =	sne.s32 s3, $0x4E;
	s3 =	sadd.s32 $0x2, s3;
	[sflag:s19] =	ssyncadd.s32 $0xFFFFFF80  }
0x84: {  	[tilespmem:s8], [sflag:$0x1] =	stream.linear.gather [hbm4b:s4+s10], $0x80, $0x38;
	[tilespmem:$0x1C400] =	vst v63  }
0x85: {  	_ = 	snop  }
0x86: {  	[tilespmem:s9], [sflag:$0x1] =	stream.linear.gather [hbm4b:s5+s10], $0x4000, $0x38;
	[tilespmem:$0x1C400] =	vst v63  }
0x87: {  	_ =	swait.ge [sflag:s11], $0x80  }
0x88: {  	[sflag:s11] =	ssyncset.done $0x0  }
0x89: {  	[sflag:s11] =	ssyncadd.s32 $0xFFFFFF80  }
0x8a: {  	_ =	swait.ge [sflag:s11], $0x4000  }
0x8b: {  	[sflag:s11] =	ssyncset.done $0x0  }
0x8c: {  	[sflag:s11] =	ssyncadd.s32 $0xFFFFC000  }
0x8d: {  	[spmem:s1] =	stream.indirect.scatter.add.f32 [tilespmem:s10], [sflag:$0x2], $0x80, s7, s12, $0xb8;
	[tilespmem:$0x1C400] =	vst v63  }
0x8e: {  	_ =	swait.ge [sflag:s19], $0x4000  }
0x8f: {  	s24 =	smin.u32 s24, s21;
	[sflag:s19] =	ssyncset.done $0x0  }
0x90: {  	s24 =	sshll.u32 s24, $0xC;
	[sflag:s19] =	ssyncadd.s32 $0xFFFFC000  }
0x91: {  	[spmem:s14] =	stream.indirect.scatter.add.f32 [tilespmem:s6], [sflag:$0x2], $0x1, s7, s12, $0xb8;
	[tilespmem:$0x1C400] =	vst v63  }
0x92: {  	s24 =	sor.u32 s23, s24;
	_ =	swait.ge [sflag:s19], $0x80  }
0x93: {  	s25 =	sshrl.u32 s24, $0x3;
	s24 =	sshll.u32 s24, $0x4;
	[sflag:s19] =	ssyncset.done $0x0  }
0x94: {  	s25 =	sadd.s32 s16, s25;
	s24 =	sadd.s32 s15, s24;
	[sflag:s19] =	ssyncadd.s32 $0xFFFFFF80  }
0x95: {  	[tilespmem:s7], [sflag:$0x1] =	stream.linear.gather [hbm4b:s25+s10], $0x80, $0x38;
	[tilespmem:$0x1C400] =	vst v63  }
0x96: {  	_ = 	snop  }
0x97: {  	[tilespmem:s10], [sflag:$0x1] =	stream.linear.gather [hbm4b:s24+s10], $0x4000, $0x38;
	[tilespmem:$0x1C400] =	vst v63  }
0x98: {  	_ =	swait.ge [sflag:s11], $0x80  }
0x99: {  	[sflag:s11] =	ssyncset.done $0x0  }
0x9a: {  	[sflag:s11] =	ssyncadd.s32 $0xFFFFFF80  }
0x9b: {  	_ =	swait.ge [sflag:s11], $0x4000  }
0x9c: {  	[sflag:s11] =	ssyncset.done $0x0  }
0x9d: {  	[sflag:s11] =	ssyncadd.s32 $0xFFFFC000  }
0x9e: {  	[spmem:s1] =	stream.indirect.scatter.add.f32 [tilespmem:s9], [sflag:$0x2], $0x80, s8, s12, $0xb8;
	[tilespmem:$0x1C400] =	vst v63  }
.Ltmp0:
0x9f: {  	_ =	swait.ge [sflag:s19], $0x4000;
	(pc) =	sbr.rel @p1 .LBB2_2-.Ltmp0, $4  }
0xa0: {  	[sflag:s19] =	ssyncset.done $0x0  }
0xa1: {  	[sflag:s19] =	ssyncadd.s32 $0xFFFFC000  }
0xa2: {  	[spmem:s14] =	stream.indirect.scatter.add.f32 [tilespmem:s6], [sflag:$0x2], $0x1, s8, s12, $0xb8;
	[tilespmem:$0x1C400] =	vst v63  }
0xa3: {  	_ =	swait.ge [sflag:s19], $0x80  }
0xa4: {  	[sflag:s19] =	ssyncset.done $0x0  }
0xa5: {  	[sflag:s19] =	ssyncadd.s32 $0xFFFFFF80  }
0xa6: {  	_ =	swait.ge [sflag:s11], $0x80  }
0xa7: {  	[sflag:s11] =	ssyncset.done $0x0  }
0xa8: {  	[sflag:s11] =	ssyncadd.s32 $0xFFFFFF80  }
0xa9: {  	_ =	swait.ge [sflag:s11], $0x4000  }
0xaa: {  	s3 =	simm.s32 @!p0 $0x80;
	[sflag:s11] =	ssyncset.done $0x0  }
0xab: {  	s4 =	simm.s32 @!p0 $0x8000;
	s5 =	simm.s32 @!p0 $0x0;
	[sflag:s11] =	ssyncadd.s32 $0xFFFFC000  }
0xac: {  	[spmem:s1] =	stream.indirect.scatter.add.f32 @!p0 [tilespmem:s5], [sflag:$0x2], $0x80, s4, s3, $0xb8;
	[tilespmem:$0x1C400] =	vst v63  }
0xad: {  	s5 =	simm.s32 @!p0 $0x2  }
0xae: {  	_ =	swait.ge @!p0 [sflag:s5], $0x4000  }
0xaf: {  	[sflag:s5] =	ssyncset.done @!p0 $0x0  }
0xb0: {  	s24 =	simm.s32 @!p0 $0x8100;
	[sflag:s5] =	ssyncadd.s32 @!p0 $0xFFFFC000  }
0xb1: {  	[spmem:s14] =	stream.indirect.scatter.add.f32 @!p0 [tilespmem:s24], [sflag:$0x2], $0x1, s4, s3, $0xb8;
	[tilespmem:$0x1C400] =	vst v63  }
0xb2: {  	_ =	swait.ge @!p0 [sflag:s5], $0x80  }
0xb3: {  	[sflag:s5] =	ssyncset.done @!p0 $0x0  }
0xb4: {  	[sflag:s5] =	ssyncadd.s32 @!p0 $0xFFFFFF80  }
0xb5: {  	[bflag:$0x0] =	sbarrier.arrive $0xFFFF  }
0xb6: {  	s4 =	rddreg [dreg:$0x5]  }
0xb7: {  	s5 =	rddreg [dreg:$0x1f]  }
0xb8: {  	[hbm:s4], [sflag:s22] =	dma.local [spmem:s5], $0x800  }
0xb9: {  	_ =	swait.ge [sflag:s19], $0x800  }
0xba: {  	s25 =	sld [smem:$0x7FD]  }
0xbb: {  	[sflag:s19] =	ssyncset.done $0x0  }
0xbc: {  	s24 =	rddreg [dreg:$0x6];
	[sflag:s19] =	ssyncadd.s32 $0xFFFFF800  }
0xbd: {  	[hbm:s24], [sflag:s22] =	dma.local [spmem:s25], $0x10  }
0xbe: {  	_ =	swait.ge [sflag:s19], $0x10  }
0xbf: {  	[sflag:s19] =	ssyncset.done $0x0  }
0xc0: {  	s4 =	rddreg [dreg:$0x7];
	[sflag:s19] =	ssyncadd.s32 $0xFFFFFFF0  }
0xc1: {  	[hbm:s4], [sflag:s22] =	dma.local [spmem:s26], $0x800  }
0xc2: {  	_ =	swait.ge [sflag:s19], $0x800  }
0xc3: {  	[sflag:s19] =	ssyncset.done $0x0  }
0xc4: {  	s5 =	rddreg [dreg:$0x8];
	[sflag:s19] =	ssyncadd.s32 $0xFFFFF800  }
0xc5: {  	[hbm:s5], [sflag:s22] =	dma.local [spmem:s28], $0x10  }
0xc6: {  	_ =	swait.ge [sflag:s19], $0x10  }
0xc7: {  	[sflag:s19] =	ssyncset.done $0x0  }
0xc8: {  	s24 =	rddreg [dreg:$0x9];
	[sflag:s19] =	ssyncadd.s32 $0xFFFFFFF0  }
0xc9: {  	[hbm:s24], [sflag:s22] =	dma.local [spmem:s29], $0x800  }
0xca: {  	_ =	swait.ge [sflag:s19], $0x800  }
0xcb: {  	[sflag:s19] =	ssyncset.done $0x0  }
0xcc: {  	s25 =	rddreg [dreg:$0xa];
	[sflag:s19] =	ssyncadd.s32 $0xFFFFF800  }
0xcd: {  	[hbm:s25], [sflag:s22] =	dma.local [spmem:s30], $0x10  }
0xce: {  	_ =	swait.ge [sflag:s19], $0x10  }
0xcf: {  	[sflag:s19] =	ssyncset.done $0x0  }
0xd0: {  	s26 =	rddreg [dreg:$0xb];
	[sflag:s19] =	ssyncadd.s32 $0xFFFFFFF0  }
0xd1: {  	[hbm:s26], [sflag:s22] =	dma.local [spmem:s31], $0x800  }
0xd2: {  	_ =	swait.ge [sflag:s19], $0x800  }
0xd3: {  	[sflag:s19] =	ssyncset.done $0x0  }
0xd4: {  	s28 =	rddreg [dreg:$0xd];
	[sflag:s19] =	ssyncadd.s32 $0xFFFFF800  }
0xd5: {  	[hbm:s28], [sflag:s22] =	dma.local [spmem:s13], $0x10  }
0xd6: {  	_ =	swait.ge [sflag:s19], $0x10  }
0xd7: {  	[sflag:s19] =	ssyncset.done $0x0  }
0xd8: {  	s29 =	rddreg [dreg:$0xc];
	[sflag:s19] =	ssyncadd.s32 $0xFFFFFFF0  }
0xd9: {  	[hbm:s29], [sflag:s22] =	dma.local [spmem:s0], $0x800  }
0xda: {  	_ =	swait.ge [sflag:s19], $0x800  }
0xdb: {  	[sflag:s19] =	ssyncset.done $0x0  }
0xdc: {  	s30 =	rddreg [dreg:$0xe];
	[sflag:s19] =	ssyncadd.s32 $0xFFFFF800  }
0xdd: {  	[hbm:s30], [sflag:s22] =	dma.local [spmem:s2], $0x10  }
0xde: {  	_ =	swait.ge [sflag:s19], $0x10  }
0xdf: {  	s20 =	sadd.s32 $0x1, s20;
	s31 =	rddreg [dreg:$0x12]  }
0xe0: {  	p1 =	sne.s32 s20, s31  }
.Ltmp1:
0xe1: {  	_ = 	snop;
	(pc) =	sbr.rel @p1 .LBB2_1-.Ltmp1, $3  }
0xe2: {  	_ =	sdelay $0x1  }
0xe3: {  	[sflag:s19] =	ssyncset.done $0x0  }
0xe4: {  	[sflag:s19] =	ssyncadd.s32 $0xFFFFFFF0  }
0xe5: {  	_ =	sfence.sel $0x180000  }
0xe6: {  	[bflag:$0x0] =	sbarrier.arrive $0xFFFF  }
0xe7: {  	_ =	strace $0x9000004A  }
0xe8: {  	s0 =	stileid.u32;
	[bflag:$0x2] =	sbarrier.arrive $0xFFFF  }
0xe9: {  	p0 =	sne.s32 s0, $0x0;
	s0 =	rddreg [dreg:$0x4]  }
0xea: {  	s0 =	sadd.s32 @!p0 $0x100000, s0  }
0xeb: {  	[sflag:s0] =	ssyncadd.tile.s32 @!p0 $0x1;
	_ =	shalt  }
.Lfunc_end2:
_tile_overlayer_lowered:
.L_overlay_start_2:
0xec: {  	(tag) =	ssettag $0x2  }
0xed: {  	s0 =	rddreg [dreg:$0x0];
	s2 =	stileid.u32  }
0xee: {  	s1 =	rddreg [dreg:$0x1];
	p0 =	sne.s32 s2, $0x0  }
0xef: {  	s3 =	rddreg [dreg:$0x2];
	[bflag:$0x3] =	sbarrier.arrive $0xFFFF;
	s2 =	simm.s32 @!p0 $0x1C02  }
0xf0: {  	[timem:s3], [sflag:s2] =	dma.local @!p0 [hbm:s0], s1  }
0xf1: {  	s0 =	simm.s32 @!p0 $0x2  }
0xf2: {  	_ =	swait.ge @!p0 [sflag:s0], s1  }
0xf3: {  	s1 =	ssub.s32 @!p0 $0x0, s1;
	[sflag:s0] =	ssyncset.done @!p0 $0x0  }
0xf4: {  	[sflag:s0] =	ssyncadd.s32 @!p0 s1  }
0xf5: {  	[bflag:$0x3] =	sbarrier.arrive $0xFFFF  }
0xf6: {  	_ =	shalt  }

// kernel: kernel.7.cloned.1.call-start
scs
__scs_entry_jumppad:
0x0: {  	(pc) =	sbr.rel $0x88, $3  }
0x1: {  	(tag) =	ssettag $0x0;
	lr =	simm.s32 $0x1  }
0x2: {  	[smem:$0x3F94] =	sst lr;
	_ =	strace $0xD0000000  }
0x3: {  	_ = 	snop  }
0x4: {  	_ = 	snop  }
0x5: {  	_ = 	snop  }
0x6: {  	_ = 	snop  }
0x7: {  	_ = 	snop  }
__scs_overlays_trampoline_lowered:
0x8: {  	[smem:$0x3FA3] =	sst s0  }
0x9: {  	[smem:$0x3FA4] =	sst s1  }
0xa: {  	[smem:$0x3FA5] =	sst s2  }
0xb: {  	[smem:$0x3FA6] =	sst s3  }
0xc: {  	[smem:$0x3FA7] =	sst s4  }
0xd: {  	[smem:$0x3FA8] =	sst s5  }
0xe: {  	[smem:$0x3FA9] =	sst s6  }
0xf: {  	[smem:$0x3FAA] =	sst s7  }
0x10: {  	[smem:$0x3FAB] =	sst s8  }
0x11: {  	[smem:$0x3FAC] =	sst s9;
	s0 =	simm.s32 @!p0 $0x0  }
0x12: {  	s1 =	sld [smem:$0x3F92];
	s0 =	simm.s32 @p0 $0x1  }
0x13: {  	[smem:$0x3FAD] =	sst s0;
	s0 =	simm.s32 @!p1 $0x0  }
0x14: {  	s2 =	sld [smem:$0x3F91];
	s0 =	simm.s32 @p1 $0x1  }
0x15: {  	[smem:$0x3FAE] =	sst s0;
	s0 =	simm.s32 @!p2 $0x0  }
0x16: {  	s3 =	sld [smem:$0x3FDB];
	s0 =	simm.s32 @p2 $0x1  }
0x17: {  	s4 =	simm.s32 $0x1BF5;
	[smem:$0x3FB0] =	sst s0  }
0x18: {  	s0 =	sld [smem:$0x3F93];
	_ =	swait.ge [sflag:s4], $0x0  }
0x19: {  	s7 =	sld [smem:$0x3F94]  }
0x1a: {  	s8 =	sadd.s32 $0xFFFFE003, lr  }
0x1b: {  	s9 =	sadd.s32 $0xFFFFFEF7, lr;
	s5 =	simm.s32 $0xFFFFFFFF;
	p2 =	slt.u32 s8, $0xFFFFF086  }
0x1c: {  	p1 =	slt.u32 s9, $0xF7A;
	s5 =	simm.s32 @!p2 $0x0  }
0x1d: {  	s5 =	simm.s32 @p1 $0x1;
	p0 =	seq.s32 s7, s2  }
0x1e: {  	s7 =	smul.u32 @!p0 $0xF7A, s2;
	p2 =	seq.s32 @!p0 s5, $0x0  }
0x1f: {  	s9 =	smul.u32 $0xF7A, s1;
	s8 =	simm.s32 @!p0 $0x1BF5;
	p2 =	por !p2, p0  }
0x20: {  	[sflag:s8] =	ssyncset.s32 @!p0 $0xFFFFF086;
	s6 =	sadd.s32 @!p0 s3, s7;
	s7 =	simm.s32 @!p0 $0x108  }
0x21: {  	s3 =	sadd.s32 s3, s9;
	s6 =	sadd.s32 @!p0 $0x88, s6;
	s7 =	simm.s32 @p2 $0x1082  }
0x22: {  	[simem:s7], [sflag:s8] =	dma.local @!p0 [hbm:s6], $0xF7A  }
0x23: {  	s9 =	sor.u32 $0xD0000000, s2;
	s6 =	simm.s32 $0x108;
	_ =	swait.ge @!p0 [sflag:s8], $0x0  }
0x24: {  	s3 =	sadd.s32 $0x88, s3;
	s6 =	simm.s32 @!p1 $0x1082;
	[sflag:s4] =	ssyncset.s32 $0xFFFFF086  }
0x25: {  	[simem:s6], [sflag:s4] =	dma.local [hbm:s3], $0xF7A  }
0x26: {  	[smem:$0x3F94] =	sst s1;
	(tag) =	ssettag s2;
	_ =	strace s9  }
0x27: {  	s1 =	sld [smem:$0x3FA4]  }
0x28: {  	s2 =	sld [smem:$0x3FA5]  }
0x29: {  	s4 =	sld [smem:$0x3FA7]  }
0x2a: {  	p0 =	seq.s32 s5, $0x0;
	s5 =	sld [smem:$0x3FA8]  }
0x2b: {  	s6 =	sld [smem:$0x3FA9]  }
0x2c: {  	s7 =	sld [smem:$0x3FAA]  }
0x2d: {  	s3 =	simm.s32 $0x108;
	s8 =	sld [smem:$0x3FAB]  }
0x2e: {  	s3 =	simm.s32 @!p0 $0x1082;
	s9 =	sld [smem:$0x3FAC]  }
0x2f: {  	lr =	sadd.s32 s0, s3;
	s0 =	sld [smem:$0x3FA3]  }
0x30: {  	s3 =	sld [smem:$0x3FA6]  }
0x31: {  	[smem:$0x3FAF] =	sst s10  }
0x32: {  	s10 =	sld [smem:$0x3FAD];
	_ =	sdelay $0x3  }
0x33: {  	p0 =	seq.s32 s10, $0x1;
	s10 =	sld [smem:$0x3FAF];
	_ =	sdelay $0x3  }
0x34: {  	[smem:$0x3FAF] =	sst s10  }
0x35: {  	s10 =	sld [smem:$0x3FAE];
	_ =	sdelay $0x3  }
0x36: {  	p1 =	seq.s32 s10, $0x1;
	s10 =	sld [smem:$0x3FAF];
	_ =	sdelay $0x3  }
0x37: {  	[smem:$0x3FAF] =	sst s10  }
0x38: {  	s10 =	sld [smem:$0x3FB0]  }
0x39: {  	_ = 	snop;
	(pc) =	sbr.ind lr, $3  }
0x3a: {  	_ = 	snop  }
0x3b: {  	_ = 	snop  }
0x3c: {  	p2 =	seq.s32 s10, $0x1;
	s10 =	sld [smem:$0x3FAF]  }
0x3d: {  	_ =	shalt  }
0x3e: {  	_ =	shalt  }
0x3f: {  	_ =	shalt  }
0x40: {  	_ =	shalt  }
0x41: {  	_ =	shalt  }
0x42: {  	_ =	shalt  }
0x43: {  	_ =	shalt  }
0x44: {  	_ =	shalt  }
0x45: {  	_ =	shalt  }
0x46: {  	_ =	shalt  }
0x47: {  	_ =	shalt  }
0x48: {  	_ =	shalt  }
0x49: {  	_ =	shalt  }
0x4a: {  	_ =	shalt  }
0x4b: {  	_ =	shalt  }
0x4c: {  	_ =	shalt  }
0x4d: {  	_ =	shalt  }
0x4e: {  	_ =	shalt  }
0x4f: {  	_ =	shalt  }
0x50: {  	_ =	shalt  }
0x51: {  	_ =	shalt  }
0x52: {  	_ =	shalt  }
0x53: {  	_ =	shalt  }
0x54: {  	_ =	shalt  }
0x55: {  	_ =	shalt  }
0x56: {  	_ =	shalt  }
0x57: {  	_ =	shalt  }
0x58: {  	_ =	shalt  }
0x59: {  	_ =	shalt  }
0x5a: {  	_ =	shalt  }
0x5b: {  	_ =	shalt  }
0x5c: {  	_ =	shalt  }
0x5d: {  	_ =	shalt  }
0x5e: {  	_ =	shalt  }
0x5f: {  	_ =	shalt  }
0x60: {  	_ =	shalt  }
0x61: {  	_ =	shalt  }
0x62: {  	_ =	shalt  }
0x63: {  	_ =	shalt  }
0x64: {  	_ =	shalt  }
0x65: {  	_ =	shalt  }
0x66: {  	_ =	shalt  }
0x67: {  	_ =	shalt  }
0x68: {  	_ =	shalt  }
0x69: {  	_ =	shalt  }
0x6a: {  	_ =	shalt  }
0x6b: {  	_ =	shalt  }
0x6c: {  	_ =	shalt  }
0x6d: {  	_ =	shalt  }
0x6e: {  	_ =	shalt  }
0x6f: {  	_ =	shalt  }
0x70: {  	_ =	shalt  }
0x71: {  	_ =	shalt  }
0x72: {  	_ =	shalt  }
0x73: {  	_ =	shalt  }
0x74: {  	_ =	shalt  }
0x75: {  	_ =	shalt  }
0x76: {  	_ =	shalt  }
0x77: {  	_ =	shalt  }
0x78: {  	_ =	shalt  }
0x79: {  	_ =	shalt  }
0x7a: {  	_ =	shalt  }
0x7b: {  	_ =	shalt  }
0x7c: {  	_ =	shalt  }
0x7d: {  	_ =	shalt  }
0x7e: {  	_ =	shalt  }
0x7f: {  	_ =	shalt  }
0x80: {  	_ =	shalt  }
0x81: {  	_ =	shalt  }
0x82: {  	_ =	shalt  }
0x83: {  	_ =	shalt  }
0x84: {  	_ =	shalt  }
0x85: {  	_ =	shalt  }
0x86: {  	_ =	shalt  }
0x87: {  	_ =	shalt  }
.Lfunc_end0:
.L_simem_size_0:
called_computation_lowered:
.L_overlay_start_0:
0x88: {  	s2 =	sld [smem:$0x3FD9]  }
0x89: {  	s3 =	sld [smem:$0x3FFE];
	_ =	sdelay $0x1  }
0x8a: {  	s1 =	srdreg.scid  }
0x8b: {  	s0 =	sand.u32 $0x1, s1  }
0x8c: {  	s17 =	sshll.u32 s0, $0xA;
	s2 =	sadd.s32 s3, s2  }
0x8d: {  	s2 =	sadd.s32 s2, s17  }
0x8e: {  	[smem:$0x3FBB] =	sst s2  }
0x8f: {  	_ = 	snop  }
0x90: {  	s2 =	sld [smem:$0x3FD0];
	(tm) =	ssettm $0x1  }
0x91: {  	s18 =	sld [smem:$0x3FFB];
	_ =	sdelay $0x3  }
0x92: {  	_ =	strace s18  }
0x93: {  	s3 =	sld [smem:$0x3FFC];
	_ =	sdelay $0x3  }
0x94: {  	_ =	strace s3  }
0x95: {  	s3 =	sld [smem:$0x3FFD];
	_ =	sdelay $0x3  }
0x96: {  	_ =	strace s3  }
0x97: {  	_ =	strace $0x8FFFFFFF  }
0x98: {  	s19 =	sld [smem:$0x3FDB];
	_ =	sdelay $0x1  }
0x99: {  	s4 =	simm.s32 $_scs_section_size  }
0x9a: {  	s5 =	simm.s32 $_size__tile_overlayer_lowered;
	s6 =	simm.s32 $_tile_overlayer_lowered  }
0x9b: {  	s22 =	simm.s32 $0x1BFF;
	s21 =	sshll.u32 s6, $0x1;
	s3 =	sadd.s32 s4, s19  }
0x9c: {  	s7 =	simm.s32 $0x0;
	s20 =	sshll.u32 s5, $0x1;
	s5 =	sadd.s32 s21, s3  }
0x9d: {  	[timem:s7], [sflag:s22] =	dma.local [hbm:s5], s20  }
0x9e: {  	_ =	swait.ge [sflag:s22], s20  }
0x9f: {  	s4 =	ssub.s32 $0x0, s20;
	[sflag:s22] =	ssyncset.done $0x0  }
0xa0: {  	[sflag:s22] =	ssyncadd.s32 s4;
	_ =	sdelay $0x1  }
0xa1: {  	s23 =	simm.s32 $0x1B8B  }
0xa2: {  	_ =	swait.ge [sflag:s23], $0x1  }
0xa3: {  	[sflag:s23] =	ssyncset.done $0x0  }
0xa4: {  	s25 =	simm.s32 $0x1B8E;
	s24 =	sld [smem:$0x3FFE];
	[sflag:s23] =	ssyncadd.s32 $0xFFFFFFFF  }
0xa5: {  	s26 =	simm.s32 $execute0_lowered;
	[smem:$0x3FD2] =	sst s25  }
0xa6: {  	s5 =	sshll.u32 s26, $0x1;
	_ =	strace $0x80000046;
	[dreg:$0x1] =	wrdreg $0xFFFFFFFF  }
0xa7: {  	s28 =	simm.s32 $_size_execute0_lowered;
	s3 =	sadd.s32 s3, s5;
	[dreg:$0x0] =	wrdreg $0x0  }
0xa8: {  	s5 =	sshll.u32 s28, $0x1;
	[dreg:$0x2] =	wrdreg s3  }
0xa9: {  	[dreg:$0x3] =	wrdreg s5  }
0xaa: {  	[dreg:$0x4] =	wrdreg $0xC0  }
0xab: {  	_ =	task [dreg:s7], $0x5FFFF  }
0xac: {  	[dreg:$0x1] =	wrdreg $0xFFFFFFFF  }
0xad: {  	[dreg:$0x0] =	wrdreg $0x60  }
0xae: {  	[dreg:$0x2] =	wrdreg s2  }
0xaf: {  	[dreg:$0x3] =	wrdreg s24  }
0xb0: {  	[dreg:$0x4] =	wrdreg $0x9  }
0xb1: {  	_ =	task.clear_ibuf [dreg:s7], $0x5FFFF;
	_ =	strace $0x90000046  }
0xb2: {  	s29 =	simm.s32 $0x9;
	_ =	strace $0x80000048  }
0xb3: {  	_ =	swait.ge [sflag:s29], $0x1  }
0xb4: {  	[sflag:s29] =	ssyncadd.s32 $0xFFFFFFFF  }
0xb5: {  	_ =	strace $0x90000048  }
0xb6: {  	_ =	sfence  }
0xb7: {  	s30 =	sld [smem:$0x0];
	_ =	sdelay $0x2  }
0xb8: {  	s31 =	sshll.u32 s1, $0xD;
	s1 =	sshrl.u32 s1, $0x2  }
0xb9: {  	s3 =	sand.u32 $0x4000, s31;
	s1 =	sadd.s32 s1, s30  }
0xba: {  	s0 =	sor.u32 s3, s0;
	s1 =	sshll.u32 s1, $0x11  }
0xbb: {  	s0 =	sor.u32 s1, s0  }
0xbc: {  	s0 =	sadd.s32 $0x8F2B, s0  }
0xbd: {  	[sflag:s0] =	ssyncadd.remote.s32 $0x1  }
0xbe: {  	_ =	sfence.sel $0xFFFF  }
0xbf: {  	[dreg:$0x0] =	wrdreg $0xFFFFFFFF;
	(pc) =	sbr.abs _section_cstart, $3  }
0xc0: {  	[dreg:$0x1] =	wrdreg $0xFFFFFFFF  }
0xc1: {  	_ =	task.clear_ibuf [dreg:s7], $0x2FFFF;
	_ =	strace $0x9FFFFFFF  }
0xc2: {  	(tm) =	ssettm $0x7FFFFFFF  }
0xc3: {  	_ =	shalt  }
tec
execute0_lowered:
.L_overlay_start_1:
0x0: {  	(tag) =	ssettag $0x1  }
0x1: {  	s1 =	rddreg [dreg:$0x0]  }
0x2: {  	s7 =	rddreg [dreg:$0x1]  }
0x3: {  	s2 =	simm.s32 $0x0;
	s8 =	srdreg.scid;
	s0 =	stileid.u32  }
0x4: {  	s10 =	simm.s32 $0x4E;
	s20 =	simm.s32 $0x180;
	s21 =	simm.s32 $0x2  }
0x5: {  	s22 =	simm.s32 $0x1;
	s23 =	simm.s32 $0x8200;
	s24 =	simm.s32 $0xC200  }
0x6: {  	s25 =	simm.s32 $0x0;
	[smem:$0x7FF] =	sst s2;
	s4 =	sadd.s32 $0x18000, s7  }
0x7: {  	s5 =	sadd.s32 $0xE200, s7;
	s6 =	sadd.s32 $0x4400, s7;
	s13 =	sand.u32 $0x1, s8  }
0x8: {  	s14 =	sadd.s32 $0x3F200, s7;
	s9 =	sshll.u32 s0, $0x1;
	s15 =	sadd.s32 $0x521200, s7  }
0x9: {  	p0 =	slt.u32 s0, $0x2;
	s16 =	sshll.u32 s0, $0xC;
	s30 =	sshll.u32 s0, $0x5  }
0xa: {  	_ =	strace $0x80000047;
	s8 =	ssub.s32 $0x2, s13;
	s9 =	sor.u32 s13, s9  }
0xb: {  	s10 =	simm.s32 @!p0 $0x4D;
	s17 =	sadd.s32 s16, s14;
	s18 =	sshll.u32 s13, $0xB  }
0xc: {  	s19 =	sadd.s32 s16, s15;
	s13 =	sshll.u32 s13, $0x4;
	p0 =	sgt.u32 s0, $0x1  }
0xd: {  	s28 =	sshrl.u32 s8, $0x1;
	s7 =	sshll.u32 s9, $0x4;
	s11 =	sshll.u32 s9, $0xB  }
0xe: {  	[dreg:$0x3] =	wrdreg s10;
	s17 =	sadd.s32 s18, s17;
	s29 =	sadd.s32 s18, s19  }
0xf: {  	s16 =	sor.u32 s18, s16;
	s13 =	sor.u32 s13, s30;
	s18 =	simm.s32 $0x4200  }
0x10: {  	s19 =	simm.s32 $0x100;
	s12 =	ssub.s32 s8, s28;
	s8 =	sadd.s32 s5, s7  }
0x11: {  	s9 =	sadd.s32 s6, s7;
	s11 =	sor.u32 $0x4E0000, s11;
	[dreg:$0x4] =	wrdreg s17  }
0x12: {  	s16 =	sor.u32 $0x10000, s16;
	[dreg:$0x5] =	wrdreg s29;
	s31 =	sor.u32 $0x200, s13  }
0x13: {  	s17 =	simm.s32 $0x200;
	s10 =	sadd.s32 s14, s11;
	s11 =	sadd.s32 s15, s11  }
0x14: {  	s12 =	smax.u32 s12, $0x1;
	s14 =	sadd.s32 s16, s14;
	s15 =	sadd.s32 s16, s15  }
0x15: {  	s13 =	sadd.s32 s31, s5;
	s16 =	simm.s32 $0x80;
	[dreg:$0x6] =	wrdreg s14  }
0x16: {  	s14 =	sadd.s32 s31, s6;
	[dreg:$0x7] =	wrdreg s15;
	s15 =	simm.s32 $0x3  }
.LBB2_1:
0x17: {  	[tilespmem:s2], [sflag:$0x3] =	stream.linear.gather [hbm4b:s8+s2], $0x80, $0x38;
	[tilespmem:$0x10200] =	vst v63  }
0x18: {  	_ =	swait.ge [sflag:s15], $0x80  }
0x19: {  	[sflag:s15] =	ssyncset.done $0x0  }
0x1a: {  	[sflag:s15] =	ssyncadd.s32 $0xFFFFFF80  }
0x1b: {  	[tilespmem:s16], [sflag:$0x3] =	stream.linear.gather [hbm4b:s9+s2], $0x80, $0x38;
	[tilespmem:$0x10200] =	vst v63  }
0x1c: {  	_ =	swait.ge [sflag:s15], $0x80  }
0x1d: {  	[sflag:s15] =	ssyncset.done $0x0  }
0x1e: {  	[sflag:s15] =	ssyncadd.s32 $0xFFFFFF80  }
0x1f: {  	[tilespmem:s17], [sflag:$0x2] =	stream.indirect.gather [hbm4b:s1+s16], $0x80, s2, s16, $0xb8;
	[tilespmem:$0x10200] =	vst v63  }
0x20: {  	_ = 	snop  }
0x21: {  	[tilespmem:s18], [sflag:$0x2] =	stream.indirect.gather [hbm4b:s4+s16], $0x80, s16, s16, $0xb8;
	[tilespmem:$0x10200] =	vst v63  }
0x22: {  	_ = 	snop  }
0x23: {  	[tilespmem:s19], [sflag:$0x1] =	stream.linear.gather [hbm4b:s13+s2], $0x80, $0x38;
	[tilespmem:$0x10200] =	vst v63  }
0x24: {  	_ = 	snop  }
0x25: {  	[tilespmem:s20], [sflag:$0x1] =	stream.linear.gather [hbm4b:s14+s2], $0x80, $0x38;
	[tilespmem:$0x10200] =	vst v63  }
0x26: {  	s26 =	rddreg [dreg:$0x3];
	_ =	swait.ge [sflag:s21], $0x4000  }
0x27: {  	[sflag:s21] =	ssyncset.done $0x0  }
0x28: {  	[sflag:s21] =	ssyncadd.s32 $0xFFFFC000  }
0x29: {  	_ =	swait.ge [sflag:s21], $0x4000  }
0x2a: {  	[sflag:s21] =	ssyncset.done $0x0  }
0x2b: {  	[sflag:s21] =	ssyncadd.s32 $0xFFFFC000  }
0x2c: {  	_ =	swait.ge [sflag:s22], $0x80  }
0x2d: {  	[sflag:s22] =	ssyncset.done $0x0  }
0x2e: {  	[sflag:s22] =	ssyncadd.s32 $0xFFFFFF80  }
0x2f: {  	_ =	swait.ge [sflag:s22], $0x80  }
0x30: {  	[sflag:s22] =	ssyncset.done $0x0  }
0x31: {  	[sflag:s22] =	ssyncadd.s32 $0xFFFFFF80  }
0x32: {  	[tilespmem:s23], [sflag:$0x2] =	stream.indirect.gather [hbm4b:s1+s16], $0x80, s19, s16, $0xb8;
	[tilespmem:$0x10200] =	vst v63  }
0x33: {  	s28 =	rddreg [dreg:$0x4]  }
0x34: {  	[tilespmem:s24], [sflag:$0x2] =	stream.indirect.gather [hbm4b:s4+s16], $0x80, s20, s16, $0xb8;
	[tilespmem:$0x10200] =	vst v63  }
0x35: {  	s28 =	sadd.s32 $0x0, s28  }
0x36: {  	[hbm4b:s28+s2] =	stream.linear.scatter [tilespmem:s17], [sflag:$0x3], $0x4000, $0x38;
	[tilespmem:$0x10200] =	vst v63  }
0x37: {  	_ =	swait.ge [sflag:s15], $0x4000  }
0x38: {  	s28 =	rddreg [dreg:$0x5];
	[sflag:s15] =	ssyncset.done $0x0  }
0x39: {  	s26 =	smin.u32 s21, s26;
	[sflag:s15] =	ssyncadd.s32 $0xFFFFC000;
	s28 =	sadd.s32 $0x0, s28  }
0x3a: {  	[hbm4b:s28+s2] =	stream.linear.scatter [tilespmem:s18], [sflag:$0x3], $0x4000, $0x38;
	[tilespmem:$0x10200] =	vst v63  }
0x3b: {  	s26 =	sshll.u32 s26, $0x9;
	_ =	swait.ge [sflag:s15], $0x4000  }
0x3c: {  	s26 =	sor.u32 s7, s26;
	[sflag:s15] =	ssyncset.done $0x0  }
0x3d: {  	s28 =	sadd.s32 s5, s26;
	[sflag:s15] =	ssyncadd.s32 $0xFFFFC000  }
0x3e: {  	[tilespmem:s2], [sflag:$0x1] =	stream.linear.gather [hbm4b:s28+s2], $0x80, $0x38;
	[tilespmem:$0x10200] =	vst v63  }
0x3f: {  	s26 =	sadd.s32 s6, s26  }
0x40: {  	[tilespmem:s16], [sflag:$0x1] =	stream.linear.gather [hbm4b:s26+s2], $0x80, $0x38;
	[tilespmem:$0x10200] =	vst v63  }
0x41: {  	_ =	swait.ge [sflag:s21], $0x4000  }
0x42: {  	[sflag:s21] =	ssyncset.done $0x0  }
0x43: {  	[sflag:s21] =	ssyncadd.s32 $0xFFFFC000  }
0x44: {  	_ =	swait.ge [sflag:s21], $0x4000  }
0x45: {  	[sflag:s21] =	ssyncset.done $0x0  }
0x46: {  	[sflag:s21] =	ssyncadd.s32 $0xFFFFC000  }
0x47: {  	_ =	swait.ge [sflag:s22], $0x80  }
0x48: {  	[sflag:s22] =	ssyncset.done $0x0  }
0x49: {  	[sflag:s22] =	ssyncadd.s32 $0xFFFFFF80  }
0x4a: {  	_ =	swait.ge [sflag:s22], $0x80  }
0x4b: {  	[sflag:s22] =	ssyncset.done $0x0  }
0x4c: {  	[sflag:s22] =	ssyncadd.s32 $0xFFFFFF80  }
0x4d: {  	[tilespmem:s17], [sflag:$0x2] =	stream.indirect.gather [hbm4b:s1+s16], $0x80, s2, s16, $0xb8;
	[tilespmem:$0x10200] =	vst v63  }
0x4e: {  	s3 =	rddreg [dreg:$0x6]  }
0x4f: {  	[tilespmem:s18], [sflag:$0x2] =	stream.indirect.gather [hbm4b:s4+s16], $0x80, s16, s16, $0xb8;
	[tilespmem:$0x10200] =	vst v63  }
0x50: {  	s26 =	sadd.s32 $0x0, s3  }
0x51: {  	[hbm4b:s26+s2] =	stream.linear.scatter [tilespmem:s23], [sflag:$0x3], $0x4000, $0x38;
	[tilespmem:$0x10200] =	vst v63  }
0x52: {  	_ =	swait.ge [sflag:s15], $0x4000  }
0x53: {  	s31 =	rddreg [dreg:$0x7];
	[sflag:s15] =	ssyncset.done $0x0  }
0x54: {  	[sflag:s15] =	ssyncadd.s32 $0xFFFFC000;
	s26 =	sadd.s32 $0x0, s31  }
0x55: {  	[hbm4b:s26+s2] =	stream.linear.scatter [tilespmem:s24], [sflag:$0x3], $0x4000, $0x38;
	[tilespmem:$0x10200] =	vst v63  }
0x56: {  	s29 =	simm.s32 $0x2;
	s30 =	smov.u32 s13;
	_ =	swait.ge [sflag:s15], $0x4000  }
0x57: {  	s28 =	sadd.s32 $0x400, s14;
	s26 =	simm.s32 $0x20000;
	[sflag:s15] =	ssyncset.done $0x0  }
.LBB2_2:
0x58: {  	[sflag:s15] =	ssyncadd.s32 $0xFFFFC000;
	s30 =	sadd.s32 $0x400, s30  }
0x59: {  	[tilespmem:s19], [sflag:$0x1] =	stream.linear.gather [hbm4b:s30+s2], $0x80, $0x38;
	[tilespmem:$0x10200] =	vst v63  }
0x5a: {  	_ = 	snop  }
0x5b: {  	[tilespmem:s20], [sflag:$0x1] =	stream.linear.gather [hbm4b:s28+s2], $0x80, $0x38;
	[tilespmem:$0x10200] =	vst v63  }
0x5c: {  	s0 =	rddreg [dreg:$0x3];
	_ =	swait.ge [sflag:s21], $0x4000  }
0x5d: {  	[sflag:s21] =	ssyncset.done $0x0  }
0x5e: {  	[sflag:s21] =	ssyncadd.s32 $0xFFFFC000  }
0x5f: {  	_ =	swait.ge [sflag:s21], $0x4000  }
0x60: {  	[sflag:s21] =	ssyncset.done $0x0  }
0x61: {  	[sflag:s21] =	ssyncadd.s32 $0xFFFFC000  }
0x62: {  	_ =	swait.ge [sflag:s22], $0x80  }
0x63: {  	[sflag:s22] =	ssyncset.done $0x0  }
0x64: {  	[sflag:s22] =	ssyncadd.s32 $0xFFFFFF80  }
0x65: {  	_ =	swait.ge [sflag:s22], $0x80  }
0x66: {  	[sflag:s22] =	ssyncset.done $0x0  }
0x67: {  	[sflag:s22] =	ssyncadd.s32 $0xFFFFFF80  }
0x68: {  	[tilespmem:s23], [sflag:$0x2] =	stream.indirect.gather [hbm4b:s1+s16], $0x80, s19, s16, $0xb8;
	[tilespmem:$0x10200] =	vst v63  }
0x69: {  	s31 =	smov.u32 s26;
	s3 =	rddreg [dreg:$0x4]  }
0x6a: {  	[tilespmem:s24], [sflag:$0x2] =	stream.indirect.gather [hbm4b:s4+s16], $0x80, s20, s16, $0xb8;
	[tilespmem:$0x10200] =	vst v63  }
0x6b: {  	s3 =	sadd.s32 s31, s3  }
0x6c: {  	[hbm4b:s3+s2] =	stream.linear.scatter [tilespmem:s17], [sflag:$0x3], $0x4000, $0x38;
	[tilespmem:$0x10200] =	vst v63  }
0x6d: {  	_ =	swait.ge [sflag:s15], $0x4000  }
0x6e: {  	s29 =	sadd.s32 $0x2, s29;
	s3 =	rddreg [dreg:$0x5];
	[sflag:s15] =	ssyncset.done $0x0  }
0x6f: {  	s0 =	smin.u32 s29, s0;
	[sflag:s15] =	ssyncadd.s32 $0xFFFFC000;
	s3 =	sadd.s32 s31, s3  }
0x70: {  	[hbm4b:s3+s2] =	stream.linear.scatter [tilespmem:s18], [sflag:$0x3], $0x4000, $0x38;
	[tilespmem:$0x10200] =	vst v63  }
0x71: {  	s0 =	sshll.u32 s0, $0x9;
	_ =	swait.ge [sflag:s15], $0x4000  }
0x72: {  	s0 =	sor.u32 s7, s0;
	[sflag:s15] =	ssyncset.done $0x0  }
0x73: {  	s3 =	sadd.s32 s5, s0;
	[sflag:s15] =	ssyncadd.s32 $0xFFFFC000  }
0x74: {  	[tilespmem:s2], [sflag:$0x1] =	stream.linear.gather [hbm4b:s3+s2], $0x80, $0x38;
	[tilespmem:$0x10200] =	vst v63  }
0x75: {  	s0 =	sadd.s32 s6, s0  }
0x76: {  	[tilespmem:s16], [sflag:$0x1] =	stream.linear.gather [hbm4b:s0+s2], $0x80, $0x38;
	[tilespmem:$0x10200] =	vst v63  }
0x77: {  	_ =	swait.ge [sflag:s21], $0x4000  }
0x78: {  	[sflag:s21] =	ssyncset.done $0x0  }
0x79: {  	[sflag:s21] =	ssyncadd.s32 $0xFFFFC000  }
0x7a: {  	_ =	swait.ge [sflag:s21], $0x4000  }
0x7b: {  	[sflag:s21] =	ssyncset.done $0x0  }
0x7c: {  	[sflag:s21] =	ssyncadd.s32 $0xFFFFC000  }
0x7d: {  	_ =	swait.ge [sflag:s22], $0x80  }
0x7e: {  	[sflag:s22] =	ssyncset.done $0x0  }
0x7f: {  	[sflag:s22] =	ssyncadd.s32 $0xFFFFFF80  }
0x80: {  	_ =	swait.ge [sflag:s22], $0x80  }
0x81: {  	[sflag:s22] =	ssyncset.done $0x0  }
0x82: {  	[sflag:s22] =	ssyncadd.s32 $0xFFFFFF80  }
0x83: {  	[tilespmem:s17], [sflag:$0x2] =	stream.indirect.gather [hbm4b:s1+s16], $0x80, s2, s16, $0xb8;
	[tilespmem:$0x10200] =	vst v63  }
0x84: {  	s3 =	rddreg [dreg:$0x6]  }
0x85: {  	[tilespmem:s18], [sflag:$0x2] =	stream.indirect.gather [hbm4b:s4+s16], $0x80, s16, s16, $0xb8;
	[tilespmem:$0x10200] =	vst v63  }
0x86: {  	s0 =	sadd.s32 s31, s3  }
0x87: {  	[hbm4b:s0+s2] =	stream.linear.scatter [tilespmem:s23], [sflag:$0x3], $0x4000, $0x38;
	[tilespmem:$0x10200] =	vst v63  }
0x88: {  	p1 =	sne.s32 s26, $0x4C0000;
	_ =	swait.ge [sflag:s15], $0x4000  }
.Ltmp0:
0x89: {  	s3 =	rddreg [dreg:$0x7];
	[sflag:s15] =	ssyncset.done $0x0;
	(pc) =	sbr.rel @p1 .LBB2_2-.Ltmp0, $4  }
0x8a: {  	[sflag:s15] =	ssyncadd.s32 $0xFFFFC000;
	s0 =	sadd.s32 s31, s3  }
0x8b: {  	[hbm4b:s0+s2] =	stream.linear.scatter [tilespmem:s24], [sflag:$0x3], $0x4000, $0x38;
	[tilespmem:$0x10200] =	vst v63  }
0x8c: {  	_ =	swait.ge [sflag:s15], $0x4000  }
0x8d: {  	s26 =	sadd.s32 $0x20000, s26;
	s28 =	sadd.s32 $0x400, s28;
	[sflag:s15] =	ssyncset.done $0x0  }
0x8e: {  	[sflag:s15] =	ssyncadd.s32 $0xFFFFC000  }
0x8f: {  	_ =	swait.ge [sflag:s21], $0x4000  }
0x90: {  	[sflag:s21] =	ssyncset.done $0x0  }
0x91: {  	[sflag:s21] =	ssyncadd.s32 $0xFFFFC000  }
0x92: {  	_ =	swait.ge [sflag:s21], $0x4000  }
0x93: {  	[sflag:s21] =	ssyncset.done $0x0  }
0x94: {  	s0 =	simm.s32 @!p0 $0x0;
	s3 =	simm.s32 @!p0 $0x200;
	[sflag:s21] =	ssyncadd.s32 $0xFFFFC000  }
0x95: {  	[hbm4b:s10+s0] =	stream.linear.scatter @!p0 [tilespmem:s3], [sflag:$0x3], $0x4000, $0x38;
	[tilespmem:$0x10200] =	vst v63  }
0x96: {  	s3 =	simm.s32 @!p0 $0x3  }
0x97: {  	s25 =	sadd.s32 $0x1, s25;
	_ =	swait.ge @!p0 [sflag:s3], $0x4000  }
0x98: {  	p1 =	sne.s32 s25, s12;
	[sflag:s3] =	ssyncset.done @!p0 $0x0  }
.Ltmp1:
0x99: {  	s26 =	simm.s32 @!p0 $0x4200;
	[sflag:s3] =	ssyncadd.s32 @!p0 $0xFFFFC000;
	(pc) =	sbr.rel @p1 .LBB2_1-.Ltmp1, $4  }
0x9a: {  	[hbm4b:s11+s0] =	stream.linear.scatter @!p0 [tilespmem:s26], [sflag:$0x3], $0x4000, $0x38;
	[tilespmem:$0x10200] =	vst v63  }
0x9b: {  	_ =	swait.ge @!p0 [sflag:s3], $0x4000  }
0x9c: {  	[sflag:s3] =	ssyncset.done @!p0 $0x0  }
0x9d: {  	[sflag:s3] =	ssyncadd.s32 @!p0 $0xFFFFC000  }
0x9e: {  	_ =	sfence.sel $0x180000  }
0x9f: {  	[bflag:$0x0] =	sbarrier.arrive $0xFFFF  }
0xa0: {  	_ =	strace $0x90000047  }
0xa1: {  	s0 =	stileid.u32;
	[bflag:$0x2] =	sbarrier.arrive $0xFFFF  }
0xa2: {  	p0 =	sne.s32 s0, $0x0;
	s0 =	rddreg [dreg:$0x2]  }
0xa3: {  	s0 =	sadd.s32 @!p0 $0x100000, s0  }
0xa4: {  	[sflag:s0] =	ssyncadd.tile.s32 @!p0 $0x1;
	_ =	shalt  }
.Lfunc_end2:
_tile_overlayer_lowered:
.L_overlay_start_2:
0xa5: {  	(tag) =	ssettag $0x2  }
0xa6: {  	s0 =	rddreg [dreg:$0x0];
	s2 =	stileid.u32  }
0xa7: {  	s1 =	rddreg [dreg:$0x1];
	p0 =	sne.s32 s2, $0x0  }
0xa8: {  	s3 =	rddreg [dreg:$0x2];
	[bflag:$0x3] =	sbarrier.arrive $0xFFFF;
	s2 =	simm.s32 @!p0 $0x1C03  }
0xa9: {  	[timem:s3], [sflag:s2] =	dma.local @!p0 [hbm:s0], s1  }
0xaa: {  	s0 =	simm.s32 @!p0 $0x3  }
0xab: {  	_ =	swait.ge @!p0 [sflag:s0], s1  }
0xac: {  	s1 =	ssub.s32 @!p0 $0x0, s1;
	[sflag:s0] =	ssyncset.done @!p0 $0x0  }
0xad: {  	[sflag:s0] =	ssyncadd.s32 @!p0 s1  }
0xae: {  	[bflag:$0x3] =	sbarrier.arrive $0xFFFF  }
0xaf: {  	_ =	shalt  }

</sc_bundles>
